<compile_context>
chip_gen: v7x
topology: tpu7x:2x2x1
jax: 0.10.2.dev20260603
libtpu: 0.0.44.dev20260713+nightly
codegen_flags: <defaults>
</compile_context>

<pallas_src>
import functools

import jax
import jax.numpy as jnp
from jax import lax
from jax.experimental import pallas as pl
from jax.experimental.pallas import tpu as pltpu
from jax.experimental.pallas import tpu_sc as plsc

N_NODES = 10000
D_FEAT = 128
N_EDGES = 320000

NC = 2
NS = 16
NW = NC * NS

CHUNK = 120
RING = 3
IR = 4
PER_W = N_EDGES // NW
FULL = PER_W // CHUNK
TAIL = PER_W - FULL * CHUNK

ACC_ROWS = 10008
ZERO_TILES = 9
ROWS_PER_ZT = ACC_ROWS // ZERO_TILES
OUT_TILES = 10
ROWS_PER_OT = N_NODES // OUT_TILES

_mesh = plsc.VectorSubcoreMesh(core_axis_name="c", subcore_axis_name="s")


@functools.partial(
    pl.kernel,
    mesh=_mesh,
    out_type=jax.ShapeDtypeStruct((NC, N_NODES, D_FEAT), jnp.float32),
    scratch_types=[
        pltpu.VMEM_SHARED((ACC_ROWS, D_FEAT), jnp.float32),
        pltpu.VMEM((IR, CHUNK), jnp.int32),
        pltpu.VMEM((IR, CHUNK), jnp.int32),
        pltpu.VMEM((RING, CHUNK, D_FEAT), jnp.float32),
        pltpu.VMEM((TAIL,), jnp.int32),
        pltpu.VMEM((TAIL,), jnp.int32),
        pltpu.SemaphoreType.DMA,
        pltpu.SemaphoreType.DMA,
        pltpu.SemaphoreType.DMA,
    ],
)
def _sc_gather_scatter(x_hbm, edge_hbm, zeros_hbm, part_hbm,
                       acc, src_v, dst_v, rows_v, tsrc_v, tdst_v,
                       isem, gsem, ssem):
    c = lax.axis_index("c")
    s = lax.axis_index("s")
    wid = s * NC + c
    base = wid * PER_W

    for b in range(RING - 1):
        pltpu.sync_copy(edge_hbm.at[pl.ds(base + b * CHUNK, CHUNK)],
                        src_v.at[b])
        pltpu.sync_copy(edge_hbm.at[pl.ds(N_EDGES + base + b * CHUNK, CHUNK)],
                        dst_v.at[b])
        pltpu.async_copy(x_hbm.at[src_v.at[b]], rows_v.at[b], gsem)
    pltpu.async_copy(
        edge_hbm.at[pl.ds(base + (RING - 1) * CHUNK, CHUNK)],
        src_v.at[RING - 1], isem)
    pltpu.async_copy(
        edge_hbm.at[pl.ds(N_EDGES + base + (RING - 1) * CHUNK, CHUNK)],
        dst_v.at[RING - 1], isem)

    @pl.when(s < ZERO_TILES)
    def _():
        pltpu.sync_copy(zeros_hbm,
                        acc.at[pl.ds(s * ROWS_PER_ZT, ROWS_PER_ZT)])
    plsc.subcore_barrier()

    def body(g, carry):
        b = g % RING
        gp = jnp.maximum(g - 1, 0)
        g2 = g + RING - 1
        g2c = jnp.minimum(g2, FULL - 1)
        g3 = g + RING
        g3c = jnp.minimum(g3, FULL - 1)

        pltpu.make_async_copy(x_hbm.at[src_v.at[g % IR]],
                              rows_v.at[b], gsem).wait()
        drain = pltpu.make_async_copy(
            rows_v.at[gp % RING], acc.at[dst_v.at[gp % IR]], ssem)

        @pl.when(g > 0)
        def _():
            drain.wait()

        @pl.when(g2 < FULL)
        def _():
            pltpu.make_async_copy(
                edge_hbm.at[pl.ds(base + g2c * CHUNK, CHUNK)],
                src_v.at[g2c % IR], isem).wait()
            pltpu.make_async_copy(
                edge_hbm.at[pl.ds(N_EDGES + base + g2c * CHUNK, CHUNK)],
                dst_v.at[g2c % IR], isem).wait()
            pltpu.async_copy(x_hbm.at[src_v.at[g2c % IR]],
                             rows_v.at[g2c % RING], gsem)

        pltpu.async_copy(rows_v.at[b], acc.at[dst_v.at[g % IR]], ssem,
                         add=True)

        @pl.when(g3 < FULL)
        def _():
            pltpu.async_copy(
                edge_hbm.at[pl.ds(base + g3c * CHUNK, CHUNK)],
                src_v.at[g3c % IR], isem)
            pltpu.async_copy(
                edge_hbm.at[pl.ds(N_EDGES + base + g3c * CHUNK, CHUNK)],
                dst_v.at[g3c % IR], isem)
        return carry

    lax.fori_loop(0, FULL, body, 0)

    pltpu.make_async_copy(rows_v.at[(FULL - 1) % RING],
                          acc.at[dst_v.at[(FULL - 1) % IR]], ssem).wait()

    pltpu.sync_copy(edge_hbm.at[pl.ds(base + FULL * CHUNK, TAIL)], tsrc_v)
    pltpu.sync_copy(edge_hbm.at[pl.ds(N_EDGES + base + FULL * CHUNK, TAIL)], tdst_v)
    pltpu.async_copy(x_hbm.at[tsrc_v], rows_v.at[0, pl.ds(0, TAIL)],
                     gsem).wait()
    pltpu.sync_copy(rows_v.at[0, pl.ds(0, TAIL)], acc.at[tdst_v], add=True)

    plsc.subcore_barrier()
    @pl.when(s < OUT_TILES)
    def _():
        pltpu.sync_copy(acc.at[pl.ds(s * ROWS_PER_OT, ROWS_PER_OT)],
                        part_hbm.at[c, pl.ds(s * ROWS_PER_OT, ROWS_PER_OT)])


def _add_body(a_ref, b_ref, o_ref):
    o_ref[...] = a_ref[0] + b_ref[0]


_ADD_ROWS = 1000


def _combine_partials(part):
    return pl.pallas_call(
        _add_body,
        out_shape=jax.ShapeDtypeStruct((N_NODES, D_FEAT), jnp.float32),
        grid=(N_NODES // _ADD_ROWS,),
        in_specs=[
            pl.BlockSpec((1, _ADD_ROWS, D_FEAT), lambda i: (0, i, 0)),
            pl.BlockSpec((1, _ADD_ROWS, D_FEAT), lambda i: (1, i, 0)),
        ],
        out_specs=pl.BlockSpec((_ADD_ROWS, D_FEAT), lambda i: (i, 0)),
    )(part, part)


def kernel(x, edge_index):
    zeros = jnp.zeros((ROWS_PER_ZT, D_FEAT), jnp.float32)
    part = _sc_gather_scatter(x, edge_index.reshape(2 * N_EDGES), zeros)
    return _combine_partials(part)

# --- scband reference (transcript-rebuilt; emitter-appended) ---
"""Pipeline reference for scband-message-passing-68453188763967 (READ-ONLY COPY).

The authoritative reference and input builder live on the scoring server;
editing this copy changes nothing except your own understanding.
"""

import jax, jax.numpy as jnp
import numpy as np

N_NODES = 10000
N_EDGES = 320000
D_FEAT = 128


def setup_inputs(seed: int = 0) -> dict:
    key = jax.random.key(seed)
    k1, k2 = jax.random.split(key)
    x = jax.random.normal(k1, (N_NODES, D_FEAT), dtype=jnp.float32)
    edge_index = jax.random.randint(k2, (2, N_EDGES), 0, N_NODES, dtype=jnp.int32)
    return {"x": x, "edge_index": edge_index}


def reference(x, edge_index):
    # MessagePassing base class with aggr='add', flow='source_to_target':
    # message(x_j) = x_j (gather source-node features per edge)
    # aggregate   = scatter-add into destination nodes
    src = edge_index[0]
    dst = edge_index[1]
    msgs = jnp.take(x, src, axis=0)              # gather: [E, d]
    out = jax.ops.segment_sum(msgs, dst, num_segments=x.shape[0])  # scatter-add: [N, d]
    return out

if __name__ == "__main__":
    import jax
    _d = setup_inputs()
    print(jax.jit(kernel)(*tuple(_d.values())))

</pallas_src>

<mosaic_0001>
#map = affine_map<(d0, d1) -> (0, 0)>
#map1 = affine_map<(d0, d1) -> (0)>
#map2 = affine_map<(d0, d1) -> (0, 0, 0)>
module attributes {stable_mosaic.version = 14 : i64} {
  func.func @_sc_gather_scatter(%arg0: i32, %arg1: i32, %arg2: memref<10000x128xf32, #tpu.memory_space<hbm>>, %arg3: memref<640000xi32, #tpu.memory_space<hbm>>, %arg4: memref<1112x128xf32, #tpu.memory_space<hbm>>, %arg5: memref<2x10000x128xf32, #tpu.memory_space<hbm>>, %arg6: memref<10008x128xf32, #tpu.memory_space<vmem_shared>>, %arg7: memref<4x120xi32, #tpu.memory_space<vmem>>, %arg8: memref<4x120xi32, #tpu.memory_space<vmem>>, %arg9: memref<3x120x128xf32, #tpu.memory_space<vmem>>, %arg10: memref<40xi32, #tpu.memory_space<vmem>>, %arg11: memref<40xi32, #tpu.memory_space<vmem>>, %arg12: memref<!tpu.dma_semaphore, #tpu.memory_space<semaphore_mem>>, %arg13: memref<!tpu.dma_semaphore, #tpu.memory_space<semaphore_mem>>, %arg14: memref<!tpu.dma_semaphore, #tpu.memory_space<semaphore_mem>>) attributes {dimension_semantics = [#tpu.dimension_semantics<core_parallel>, #tpu.dimension_semantics<subcore_parallel>], iteration_bounds = array<i64: 2, 16>, scalar_prefetch = 0 : i64, scratch_operands = 9 : i64, tpu.core_type = #tpu.core_type<sc_vector_subcore>, window_params = [{transform_indices = #map}, {transform_indices = #map1}, {transform_indices = #map}, {transform_indices = #map2}]} {
    %mul3A = arith.constant 2 : i32
    %mul3A_0 = arith.muli %arg1, %mul3A : i32
    %add3A = arith.addi %mul3A_0, %arg0 : i32
    %mul3A_1 = arith.constant 10000 : i32
    %mul3A_2 = arith.muli %add3A, %mul3A_1 : i32
    %add3A_3 = arith.constant 0 : i32
    %add3A_4 = arith.addi %mul3A_2, %add3A_3 : i32
    %run_scoped3A = arith.constant 0 : i32
    "tpu.region"() ({
      %run_scoped3A_112 = tpu.sem_alloc : memref<!tpu.dma_semaphore, #tpu.memory_space<semaphore_mem>>
      %dma_start3A_113 = arith.constant 0 : i32
      %dma_start3A_114 = tpu.memref_slice %arg7[%run_scoped3A, %dma_start3A_113] : memref<4x120xi32, #tpu.memory_space<vmem>> -> memref<1x120xi32, #tpu.memory_space<vmem>>
      %dma_start3A_115 = tpu.memref_squeeze %dma_start3A_114 : memref<1x120xi32, #tpu.memory_space<vmem>> -> memref<120xi32, #tpu.memory_space<vmem>>
      %dma_start3A_116 = tpu.memref_slice %arg3[%add3A_4] : memref<640000xi32, #tpu.memory_space<hbm>> -> memref<120xi32, #tpu.memory_space<hbm>>
      %dma_start3A_117 = arith.constant 0 : i32
      %dma_start3A_118 = tpu.memref_slice %arg7[%run_scoped3A, %dma_start3A_117] : memref<4x120xi32, #tpu.memory_space<vmem>> -> memref<1x120xi32, #tpu.memory_space<vmem>>
      %dma_start3A_119 = tpu.memref_squeeze %dma_start3A_118 : memref<1x120xi32, #tpu.memory_space<vmem>> -> memref<120xi32, #tpu.memory_space<vmem>>
      %dma_start3A_120 = tpu.memref_slice %arg3[%add3A_4] : memref<640000xi32, #tpu.memory_space<hbm>> -> memref<120xi32, #tpu.memory_space<hbm>>
      tpu.enqueue_dma source(%dma_start3A_120 : memref<120xi32, #tpu.memory_space<hbm>>) target(%dma_start3A_119 : memref<120xi32, #tpu.memory_space<vmem>>) target_semaphore(%run_scoped3A_112 : memref<!tpu.dma_semaphore, #tpu.memory_space<semaphore_mem>>)
      %dma_wait3A_121 = arith.constant 0 : i32
      %dma_wait3A_122 = tpu.memref_slice %arg7[%run_scoped3A, %dma_wait3A_121] : memref<4x120xi32, #tpu.memory_space<vmem>> -> memref<1x120xi32, #tpu.memory_space<vmem>>
      %dma_wait3A_123 = tpu.memref_squeeze %dma_wait3A_122 : memref<1x120xi32, #tpu.memory_space<vmem>> -> memref<120xi32, #tpu.memory_space<vmem>>
      %dma_wait3A_124 = tpu.memref_slice %arg3[%add3A_4] : memref<640000xi32, #tpu.memory_space<hbm>> -> memref<120xi32, #tpu.memory_space<hbm>>
      %dma_wait3A_125 = arith.constant 0 : i32
      %dma_wait3A_126 = tpu.memref_slice %arg7[%run_scoped3A, %dma_wait3A_125] : memref<4x120xi32, #tpu.memory_space<vmem>> -> memref<1x120xi32, #tpu.memory_space<vmem>>
      %dma_wait3A_127 = tpu.memref_squeeze %dma_wait3A_126 : memref<1x120xi32, #tpu.memory_space<vmem>> -> memref<120xi32, #tpu.memory_space<vmem>>
      %dma_wait3A_128 = tpu.memref_slice %arg3[%add3A_4] : memref<640000xi32, #tpu.memory_space<hbm>> -> memref<120xi32, #tpu.memory_space<hbm>>
      tpu.wait_dma2 semaphore(%run_scoped3A_112 : memref<!tpu.dma_semaphore, #tpu.memory_space<semaphore_mem>>) src(%dma_wait3A_128 : memref<120xi32, #tpu.memory_space<hbm>>) dst(%dma_wait3A_127 : memref<120xi32, #tpu.memory_space<vmem>>)
      tpu.yield
    }) : () -> ()
    %add3A_5 = arith.constant 320000 : i32
    %add3A_6 = arith.addi %add3A_5, %mul3A_2 : i32
    %add3A_7 = arith.constant 0 : i32
    %add3A_8 = arith.addi %add3A_6, %add3A_7 : i32
    %run_scoped3A_9 = arith.constant 0 : i32
    "tpu.region"() ({
      %run_scoped3A_112 = tpu.sem_alloc : memref<!tpu.dma_semaphore, #tpu.memory_space<semaphore_mem>>
      %dma_start3A_113 = arith.constant 0 : i32
      %dma_start3A_114 = tpu.memref_slice %arg8[%run_scoped3A_9, %dma_start3A_113] : memref<4x120xi32, #tpu.memory_space<vmem>> -> memref<1x120xi32, #tpu.memory_space<vmem>>
      %dma_start3A_115 = tpu.memref_squeeze %dma_start3A_114 : memref<1x120xi32, #tpu.memory_space<vmem>> -> memref<120xi32, #tpu.memory_space<vmem>>
      %dma_start3A_116 = tpu.memref_slice %arg3[%add3A_8] : memref<640000xi32, #tpu.memory_space<hbm>> -> memref<120xi32, #tpu.memory_space<hbm>>
      %dma_start3A_117 = arith.constant 0 : i32
      %dma_start3A_118 = tpu.memref_slice %arg8[%run_scoped3A_9, %dma_start3A_117] : memref<4x120xi32, #tpu.memory_space<vmem>> -> memref<1x120xi32, #tpu.memory_space<vmem>>
      %dma_start3A_119 = tpu.memref_squeeze %dma_start3A_118 : memref<1x120xi32, #tpu.memory_space<vmem>> -> memref<120xi32, #tpu.memory_space<vmem>>
      %dma_start3A_120 = tpu.memref_slice %arg3[%add3A_8] : memref<640000xi32, #tpu.memory_space<hbm>> -> memref<120xi32, #tpu.memory_space<hbm>>
      tpu.enqueue_dma source(%dma_start3A_120 : memref<120xi32, #tpu.memory_space<hbm>>) target(%dma_start3A_119 : memref<120xi32, #tpu.memory_space<vmem>>) target_semaphore(%run_scoped3A_112 : memref<!tpu.dma_semaphore, #tpu.memory_space<semaphore_mem>>)
      %dma_wait3A_121 = arith.constant 0 : i32
      %dma_wait3A_122 = tpu.memref_slice %arg8[%run_scoped3A_9, %dma_wait3A_121] : memref<4x120xi32, #tpu.memory_space<vmem>> -> memref<1x120xi32, #tpu.memory_space<vmem>>
      %dma_wait3A_123 = tpu.memref_squeeze %dma_wait3A_122 : memref<1x120xi32, #tpu.memory_space<vmem>> -> memref<120xi32, #tpu.memory_space<vmem>>
      %dma_wait3A_124 = tpu.memref_slice %arg3[%add3A_8] : memref<640000xi32, #tpu.memory_space<hbm>> -> memref<120xi32, #tpu.memory_space<hbm>>
      %dma_wait3A_125 = arith.constant 0 : i32
      %dma_wait3A_126 = tpu.memref_slice %arg8[%run_scoped3A_9, %dma_wait3A_125] : memref<4x120xi32, #tpu.memory_space<vmem>> -> memref<1x120xi32, #tpu.memory_space<vmem>>
      %dma_wait3A_127 = tpu.memref_squeeze %dma_wait3A_126 : memref<1x120xi32, #tpu.memory_space<vmem>> -> memref<120xi32, #tpu.memory_space<vmem>>
      %dma_wait3A_128 = tpu.memref_slice %arg3[%add3A_8] : memref<640000xi32, #tpu.memory_space<hbm>> -> memref<120xi32, #tpu.memory_space<hbm>>
      tpu.wait_dma2 semaphore(%run_scoped3A_112 : memref<!tpu.dma_semaphore, #tpu.memory_space<semaphore_mem>>) src(%dma_wait3A_128 : memref<120xi32, #tpu.memory_space<hbm>>) dst(%dma_wait3A_127 : memref<120xi32, #tpu.memory_space<vmem>>)
      tpu.yield
    }) : () -> ()
    %dma_start3A = arith.constant 0 : i32
    %dma_start3A_10 = arith.constant 0 : i32
    %dma_start3A_11 = arith.constant 0 : i32
    %dma_start3A_12 = arith.constant 0 : i32
    %dma_start3A_13 = tpu.memref_slice %arg9[%dma_start3A_10, %dma_start3A_11, %dma_start3A_12] : memref<3x120x128xf32, #tpu.memory_space<vmem>> -> memref<1x120x128xf32, #tpu.memory_space<vmem>>
    %dma_start3A_14 = tpu.memref_squeeze %dma_start3A_13 : memref<1x120x128xf32, #tpu.memory_space<vmem>> -> memref<120x128xf32, #tpu.memory_space<vmem>>
    %dma_start3A_15 = arith.constant 0 : i32
    %dma_start3A_16 = tpu.memref_slice %arg7[%dma_start3A, %dma_start3A_15] : memref<4x120xi32, #tpu.memory_space<vmem>> -> memref<1x120xi32, #tpu.memory_space<vmem>>
    %dma_start3A_17 = tpu.memref_squeeze %dma_start3A_16 : memref<1x120xi32, #tpu.memory_space<vmem>> -> memref<120xi32, #tpu.memory_space<vmem>>
    %dma_start3A_18 = arith.constant 0 : i32
    %dma_start3A_19 = arith.constant 0 : i32
    %dma_start3A_20 = tpu.memref_slice %arg2[%dma_start3A_18, %dma_start3A_19] : memref<10000x128xf32, #tpu.memory_space<hbm>> -> memref<10000x128xf32, #tpu.memory_space<hbm>>
    tpu.enqueue_indirect_dma source(%dma_start3A_20 : memref<10000x128xf32, #tpu.memory_space<hbm>>) target(%dma_start3A_14 : memref<120x128xf32, #tpu.memory_space<vmem>>) offsets(%dma_start3A_17 : memref<120xi32, #tpu.memory_space<vmem>>) semaphore(%arg13 : memref<!tpu.dma_semaphore, #tpu.memory_space<semaphore_mem>>)
    %add3A_21 = arith.constant 120 : i32
    %add3A_22 = arith.addi %mul3A_2, %add3A_21 : i32
    %run_scoped3A_23 = arith.constant 1 : i32
    "tpu.region"() ({
      %run_scoped3A_112 = tpu.sem_alloc : memref<!tpu.dma_semaphore, #tpu.memory_space<semaphore_mem>>
      %dma_start3A_113 = arith.constant 0 : i32
      %dma_start3A_114 = tpu.memref_slice %arg7[%run_scoped3A_23, %dma_start3A_113] : memref<4x120xi32, #tpu.memory_space<vmem>> -> memref<1x120xi32, #tpu.memory_space<vmem>>
      %dma_start3A_115 = tpu.memref_squeeze %dma_start3A_114 : memref<1x120xi32, #tpu.memory_space<vmem>> -> memref<120xi32, #tpu.memory_space<vmem>>
      %dma_start3A_116 = tpu.memref_slice %arg3[%add3A_22] : memref<640000xi32, #tpu.memory_space<hbm>> -> memref<120xi32, #tpu.memory_space<hbm>>
      %dma_start3A_117 = arith.constant 0 : i32
      %dma_start3A_118 = tpu.memref_slice %arg7[%run_scoped3A_23, %dma_start3A_117] : memref<4x120xi32, #tpu.memory_space<vmem>> -> memref<1x120xi32, #tpu.memory_space<vmem>>
      %dma_start3A_119 = tpu.memref_squeeze %dma_start3A_118 : memref<1x120xi32, #tpu.memory_space<vmem>> -> memref<120xi32, #tpu.memory_space<vmem>>
      %dma_start3A_120 = tpu.memref_slice %arg3[%add3A_22] : memref<640000xi32, #tpu.memory_space<hbm>> -> memref<120xi32, #tpu.memory_space<hbm>>
      tpu.enqueue_dma source(%dma_start3A_120 : memref<120xi32, #tpu.memory_space<hbm>>) target(%dma_start3A_119 : memref<120xi32, #tpu.memory_space<vmem>>) target_semaphore(%run_scoped3A_112 : memref<!tpu.dma_semaphore, #tpu.memory_space<semaphore_mem>>)
      %dma_wait3A_121 = arith.constant 0 : i32
      %dma_wait3A_122 = tpu.memref_slice %arg7[%run_scoped3A_23, %dma_wait3A_121] : memref<4x120xi32, #tpu.memory_space<vmem>> -> memref<1x120xi32, #tpu.memory_space<vmem>>
      %dma_wait3A_123 = tpu.memref_squeeze %dma_wait3A_122 : memref<1x120xi32, #tpu.memory_space<vmem>> -> memref<120xi32, #tpu.memory_space<vmem>>
      %dma_wait3A_124 = tpu.memref_slice %arg3[%add3A_22] : memref<640000xi32, #tpu.memory_space<hbm>> -> memref<120xi32, #tpu.memory_space<hbm>>
      %dma_wait3A_125 = arith.constant 0 : i32
      %dma_wait3A_126 = tpu.memref_slice %arg7[%run_scoped3A_23, %dma_wait3A_125] : memref<4x120xi32, #tpu.memory_space<vmem>> -> memref<1x120xi32, #tpu.memory_space<vmem>>
      %dma_wait3A_127 = tpu.memref_squeeze %dma_wait3A_126 : memref<1x120xi32, #tpu.memory_space<vmem>> -> memref<120xi32, #tpu.memory_space<vmem>>
      %dma_wait3A_128 = tpu.memref_slice %arg3[%add3A_22] : memref<640000xi32, #tpu.memory_space<hbm>> -> memref<120xi32, #tpu.memory_space<hbm>>
      tpu.wait_dma2 semaphore(%run_scoped3A_112 : memref<!tpu.dma_semaphore, #tpu.memory_space<semaphore_mem>>) src(%dma_wait3A_128 : memref<120xi32, #tpu.memory_space<hbm>>) dst(%dma_wait3A_127 : memref<120xi32, #tpu.memory_space<vmem>>)
      tpu.yield
    }) : () -> ()
    %add3A_24 = arith.constant 320000 : i32
    %add3A_25 = arith.addi %add3A_24, %mul3A_2 : i32
    %add3A_26 = arith.constant 120 : i32
    %add3A_27 = arith.addi %add3A_25, %add3A_26 : i32
    %run_scoped3A_28 = arith.constant 1 : i32
    "tpu.region"() ({
      %run_scoped3A_112 = tpu.sem_alloc : memref<!tpu.dma_semaphore, #tpu.memory_space<semaphore_mem>>
      %dma_start3A_113 = arith.constant 0 : i32
      %dma_start3A_114 = tpu.memref_slice %arg8[%run_scoped3A_28, %dma_start3A_113] : memref<4x120xi32, #tpu.memory_space<vmem>> -> memref<1x120xi32, #tpu.memory_space<vmem>>
      %dma_start3A_115 = tpu.memref_squeeze %dma_start3A_114 : memref<1x120xi32, #tpu.memory_space<vmem>> -> memref<120xi32, #tpu.memory_space<vmem>>
      %dma_start3A_116 = tpu.memref_slice %arg3[%add3A_27] : memref<640000xi32, #tpu.memory_space<hbm>> -> memref<120xi32, #tpu.memory_space<hbm>>
      %dma_start3A_117 = arith.constant 0 : i32
      %dma_start3A_118 = tpu.memref_slice %arg8[%run_scoped3A_28, %dma_start3A_117] : memref<4x120xi32, #tpu.memory_space<vmem>> -> memref<1x120xi32, #tpu.memory_space<vmem>>
      %dma_start3A_119 = tpu.memref_squeeze %dma_start3A_118 : memref<1x120xi32, #tpu.memory_space<vmem>> -> memref<120xi32, #tpu.memory_space<vmem>>
      %dma_start3A_120 = tpu.memref_slice %arg3[%add3A_27] : memref<640000xi32, #tpu.memory_space<hbm>> -> memref<120xi32, #tpu.memory_space<hbm>>
      tpu.enqueue_dma source(%dma_start3A_120 : memref<120xi32, #tpu.memory_space<hbm>>) target(%dma_start3A_119 : memref<120xi32, #tpu.memory_space<vmem>>) target_semaphore(%run_scoped3A_112 : memref<!tpu.dma_semaphore, #tpu.memory_space<semaphore_mem>>)
      %dma_wait3A_121 = arith.constant 0 : i32
      %dma_wait3A_122 = tpu.memref_slice %arg8[%run_scoped3A_28, %dma_wait3A_121] : memref<4x120xi32, #tpu.memory_space<vmem>> -> memref<1x120xi32, #tpu.memory_space<vmem>>
      %dma_wait3A_123 = tpu.memref_squeeze %dma_wait3A_122 : memref<1x120xi32, #tpu.memory_space<vmem>> -> memref<120xi32, #tpu.memory_space<vmem>>
      %dma_wait3A_124 = tpu.memref_slice %arg3[%add3A_27] : memref<640000xi32, #tpu.memory_space<hbm>> -> memref<120xi32, #tpu.memory_space<hbm>>
      %dma_wait3A_125 = arith.constant 0 : i32
      %dma_wait3A_126 = tpu.memref_slice %arg8[%run_scoped3A_28, %dma_wait3A_125] : memref<4x120xi32, #tpu.memory_space<vmem>> -> memref<1x120xi32, #tpu.memory_space<vmem>>
      %dma_wait3A_127 = tpu.memref_squeeze %dma_wait3A_126 : memref<1x120xi32, #tpu.memory_space<vmem>> -> memref<120xi32, #tpu.memory_space<vmem>>
      %dma_wait3A_128 = tpu.memref_slice %arg3[%add3A_27] : memref<640000xi32, #tpu.memory_space<hbm>> -> memref<120xi32, #tpu.memory_space<hbm>>
      tpu.wait_dma2 semaphore(%run_scoped3A_112 : memref<!tpu.dma_semaphore, #tpu.memory_space<semaphore_mem>>) src(%dma_wait3A_128 : memref<120xi32, #tpu.memory_space<hbm>>) dst(%dma_wait3A_127 : memref<120xi32, #tpu.memory_space<vmem>>)
      tpu.yield
    }) : () -> ()
    %dma_start3A_29 = arith.constant 1 : i32
    %dma_start3A_30 = arith.constant 1 : i32
    %dma_start3A_31 = arith.constant 0 : i32
    %dma_start3A_32 = arith.constant 0 : i32
    %dma_start3A_33 = tpu.memref_slice %arg9[%dma_start3A_30, %dma_start3A_31, %dma_start3A_32] : memref<3x120x128xf32, #tpu.memory_space<vmem>> -> memref<1x120x128xf32, #tpu.memory_space<vmem>>
    %dma_start3A_34 = tpu.memref_squeeze %dma_start3A_33 : memref<1x120x128xf32, #tpu.memory_space<vmem>> -> memref<120x128xf32, #tpu.memory_space<vmem>>
    %dma_start3A_35 = arith.constant 0 : i32
    %dma_start3A_36 = tpu.memref_slice %arg7[%dma_start3A_29, %dma_start3A_35] : memref<4x120xi32, #tpu.memory_space<vmem>> -> memref<1x120xi32, #tpu.memory_space<vmem>>
    %dma_start3A_37 = tpu.memref_squeeze %dma_start3A_36 : memref<1x120xi32, #tpu.memory_space<vmem>> -> memref<120xi32, #tpu.memory_space<vmem>>
    %dma_start3A_38 = arith.constant 0 : i32
    %dma_start3A_39 = arith.constant 0 : i32
    %dma_start3A_40 = tpu.memref_slice %arg2[%dma_start3A_38, %dma_start3A_39] : memref<10000x128xf32, #tpu.memory_space<hbm>> -> memref<10000x128xf32, #tpu.memory_space<hbm>>
    tpu.enqueue_indirect_dma source(%dma_start3A_40 : memref<10000x128xf32, #tpu.memory_space<hbm>>) target(%dma_start3A_34 : memref<120x128xf32, #tpu.memory_space<vmem>>) offsets(%dma_start3A_37 : memref<120xi32, #tpu.memory_space<vmem>>) semaphore(%arg13 : memref<!tpu.dma_semaphore, #tpu.memory_space<semaphore_mem>>)
    %add3A_41 = arith.constant 240 : i32
    %add3A_42 = arith.addi %mul3A_2, %add3A_41 : i32
    %dma_start3A_43 = arith.constant 2 : i32
    %dma_start3A_44 = arith.constant 0 : i32
    %dma_start3A_45 = tpu.memref_slice %arg7[%dma_start3A_43, %dma_start3A_44] : memref<4x120xi32, #tpu.memory_space<vmem>> -> memref<1x120xi32, #tpu.memory_space<vmem>>
    %dma_start3A_46 = tpu.memref_squeeze %dma_start3A_45 : memref<1x120xi32, #tpu.memory_space<vmem>> -> memref<120xi32, #tpu.memory_space<vmem>>
    %dma_start3A_47 = tpu.memref_slice %arg3[%add3A_42] : memref<640000xi32, #tpu.memory_space<hbm>> -> memref<120xi32, #tpu.memory_space<hbm>>
    %dma_start3A_48 = arith.constant 0 : i32
    %dma_start3A_49 = tpu.memref_slice %arg7[%dma_start3A_43, %dma_start3A_48] : memref<4x120xi32, #tpu.memory_space<vmem>> -> memref<1x120xi32, #tpu.memory_space<vmem>>
    %dma_start3A_50 = tpu.memref_squeeze %dma_start3A_49 : memref<1x120xi32, #tpu.memory_space<vmem>> -> memref<120xi32, #tpu.memory_space<vmem>>
    %dma_start3A_51 = tpu.memref_slice %arg3[%add3A_42] : memref<640000xi32, #tpu.memory_space<hbm>> -> memref<120xi32, #tpu.memory_space<hbm>>
    tpu.enqueue_dma source(%dma_start3A_51 : memref<120xi32, #tpu.memory_space<hbm>>) target(%dma_start3A_50 : memref<120xi32, #tpu.memory_space<vmem>>) target_semaphore(%arg12 : memref<!tpu.dma_semaphore, #tpu.memory_space<semaphore_mem>>)
    %add3A_52 = arith.constant 320000 : i32
    %add3A_53 = arith.addi %add3A_52, %mul3A_2 : i32
    %add3A_54 = arith.constant 240 : i32
    %add3A_55 = arith.addi %add3A_53, %add3A_54 : i32
    %dma_start3A_56 = arith.constant 2 : i32
    %dma_start3A_57 = arith.constant 0 : i32
    %dma_start3A_58 = tpu.memref_slice %arg8[%dma_start3A_56, %dma_start3A_57] : memref<4x120xi32, #tpu.memory_space<vmem>> -> memref<1x120xi32, #tpu.memory_space<vmem>>
    %dma_start3A_59 = tpu.memref_squeeze %dma_start3A_58 : memref<1x120xi32, #tpu.memory_space<vmem>> -> memref<120xi32, #tpu.memory_space<vmem>>
    %dma_start3A_60 = tpu.memref_slice %arg3[%add3A_55] : memref<640000xi32, #tpu.memory_space<hbm>> -> memref<120xi32, #tpu.memory_space<hbm>>
    %dma_start3A_61 = arith.constant 0 : i32
    %dma_start3A_62 = tpu.memref_slice %arg8[%dma_start3A_56, %dma_start3A_61] : memref<4x120xi32, #tpu.memory_space<vmem>> -> memref<1x120xi32, #tpu.memory_space<vmem>>
    %dma_start3A_63 = tpu.memref_squeeze %dma_start3A_62 : memref<1x120xi32, #tpu.memory_space<vmem>> -> memref<120xi32, #tpu.memory_space<vmem>>
    %dma_start3A_64 = tpu.memref_slice %arg3[%add3A_55] : memref<640000xi32, #tpu.memory_space<hbm>> -> memref<120xi32, #tpu.memory_space<hbm>>
    tpu.enqueue_dma source(%dma_start3A_64 : memref<120xi32, #tpu.memory_space<hbm>>) target(%dma_start3A_63 : memref<120xi32, #tpu.memory_space<vmem>>) target_semaphore(%arg12 : memref<!tpu.dma_semaphore, #tpu.memory_space<semaphore_mem>>)
    %lt3A = arith.constant 9 : i32
    %lt3A_65 = arith.cmpi slt, %arg1, %lt3A : i32
    %convert_element_type3A = arith.extui %lt3A_65 : i1 to i32
    %cond3A = arith.constant 0 : i32
    %cond3A_66 = arith.cmpi ne, %convert_element_type3A, %cond3A : i32
    scf.if %cond3A_66 {
      %mul3A_112 = arith.constant 1112 : i32
      %mul3A_113 = arith.muli %arg1, %mul3A_112 : i32
      "tpu.region"() ({
        %run_scoped3A_114 = tpu.sem_alloc : memref<!tpu.dma_semaphore, #tpu.memory_space<semaphore_mem>>
        %dma_start3A_115 = arith.constant 0 : i32
        %dma_start3A_116 = tpu.memref_slice %arg6[%mul3A_113, %dma_start3A_115] : memref<10008x128xf32, #tpu.memory_space<vmem_shared>> -> memref<1112x128xf32, #tpu.memory_space<vmem_shared>>
        tpu.enqueue_dma source(%arg4 : memref<1112x128xf32, #tpu.memory_space<hbm>>) target(%dma_start3A_116 : memref<1112x128xf32, #tpu.memory_space<vmem_shared>>) target_semaphore(%run_scoped3A_114 : memref<!tpu.dma_semaphore, #tpu.memory_space<semaphore_mem>>)
        %dma_wait3A_117 = arith.constant 0 : i32
        %dma_wait3A_118 = tpu.memref_slice %arg6[%mul3A_113, %dma_wait3A_117] : memref<10008x128xf32, #tpu.memory_space<vmem_shared>> -> memref<1112x128xf32, #tpu.memory_space<vmem_shared>>
        tpu.wait_dma2 semaphore(%run_scoped3A_114 : memref<!tpu.dma_semaphore, #tpu.memory_space<semaphore_mem>>) src(%arg4 : memref<1112x128xf32, #tpu.memory_space<hbm>>) dst(%dma_wait3A_118 : memref<1112x128xf32, #tpu.memory_space<vmem_shared>>)
        tpu.yield
      }) : () -> ()
    } else {
    }
    %barrier3A = arith.constant 0 : index
    tpu.barrier barrier_id(%barrier3A)
    %scan3A = arith.constant 0 : i32
    %scan3A_67 = arith.constant 0 : i32
    %scan3A_68 = arith.constant 83 : i32
    %scan3A_69 = arith.addi %scan3A_67, %scan3A_68 : i32
    %scan3A_70 = arith.constant 1 : i32
    scf.for %scan3A_112 = %scan3A_67 to %scan3A_69 step %scan3A_70  : i32 {
      %jit3A = arith.constant 3 : i32
      %eq3A = arith.constant 0 : i32
      %eq3A_113 = arith.cmpi eq, %jit3A, %eq3A : i32
      %jit3A_114 = arith.constant 1 : i32
      %select_n3A = arith.select %eq3A_113, %jit3A_114, %jit3A : i32
      %rem3A = arith.remsi %scan3A_112, %select_n3A : i32
      %ne3A = arith.constant 0 : i32
      %ne3A_115 = arith.cmpi ne, %rem3A, %ne3A : i32
      %lt3A_116 = arith.constant 0 : i32
      %lt3A_117 = arith.cmpi slt, %rem3A, %lt3A_116 : i32
      %lt3A_118 = arith.constant 0 : i32
      %lt3A_119 = arith.cmpi slt, %select_n3A, %lt3A_118 : i32
      %ne3A_120 = arith.xori %lt3A_117, %lt3A_119 : i1
      %and3A = arith.andi %ne3A_120, %ne3A_115 : i1
      %add3A_121 = arith.addi %rem3A, %select_n3A : i32
      %select_n3A_122 = arith.select %and3A, %add3A_121, %rem3A : i32
      %sub3A = arith.constant 1 : i32
      %sub3A_123 = arith.subi %scan3A_112, %sub3A : i32
      %max3A = arith.constant 0 : i32
      %max3A_124 = arith.maxsi %sub3A_123, %max3A : i32
      %add3A_125 = arith.constant 3 : i32
      %add3A_126 = arith.addi %scan3A_112, %add3A_125 : i32
      %sub3A_127 = arith.constant 1 : i32
      %sub3A_128 = arith.subi %add3A_126, %sub3A_127 : i32
      %min3A = arith.constant 82 : i32
      %min3A_129 = arith.minsi %sub3A_128, %min3A : i32
      %add3A_130 = arith.constant 3 : i32
      %add3A_131 = arith.addi %scan3A_112, %add3A_130 : i32
      %min3A_132 = arith.constant 82 : i32
      %min3A_133 = arith.minsi %add3A_131, %min3A_132 : i32
      %jit3A_134 = arith.constant 4 : i32
      %eq3A_135 = arith.constant 0 : i32
      %eq3A_136 = arith.cmpi eq, %jit3A_134, %eq3A_135 : i32
      %jit3A_137 = arith.constant 1 : i32
      %select_n3A_138 = arith.select %eq3A_136, %jit3A_137, %jit3A_134 : i32
      %rem3A_139 = arith.remsi %scan3A_112, %select_n3A_138 : i32
      %ne3A_140 = arith.constant 0 : i32
      %ne3A_141 = arith.cmpi ne, %rem3A_139, %ne3A_140 : i32
      %lt3A_142 = arith.constant 0 : i32
      %lt3A_143 = arith.cmpi slt, %rem3A_139, %lt3A_142 : i32
      %lt3A_144 = arith.constant 0 : i32
      %lt3A_145 = arith.cmpi slt, %select_n3A_138, %lt3A_144 : i32
      %ne3A_146 = arith.xori %lt3A_143, %lt3A_145 : i1
      %and3A_147 = arith.andi %ne3A_146, %ne3A_141 : i1
      %add3A_148 = arith.addi %rem3A_139, %select_n3A_138 : i32
      %select_n3A_149 = arith.select %and3A_147, %add3A_148, %rem3A_139 : i32
      %dma_wait3A_150 = arith.constant 0 : i32
      %dma_wait3A_151 = arith.constant 0 : i32
      %dma_wait3A_152 = tpu.memref_slice %arg9[%select_n3A_122, %dma_wait3A_150, %dma_wait3A_151] : memref<3x120x128xf32, #tpu.memory_space<vmem>> -> memref<1x120x128xf32, #tpu.memory_space<vmem>>
      %dma_wait3A_153 = tpu.memref_squeeze %dma_wait3A_152 : memref<1x120x128xf32, #tpu.memory_space<vmem>> -> memref<120x128xf32, #tpu.memory_space<vmem>>
      %dma_wait3A_154 = arith.constant 0 : i32
      %dma_wait3A_155 = tpu.memref_slice %arg7[%select_n3A_149, %dma_wait3A_154] : memref<4x120xi32, #tpu.memory_space<vmem>> -> memref<1x120xi32, #tpu.memory_space<vmem>>
      %dma_wait3A_156 = tpu.memref_squeeze %dma_wait3A_155 : memref<1x120xi32, #tpu.memory_space<vmem>> -> memref<120xi32, #tpu.memory_space<vmem>>
      %dma_wait3A_157 = arith.constant 0 : i32
      %dma_wait3A_158 = arith.constant 0 : i32
      %dma_wait3A_159 = tpu.memref_slice %arg2[%dma_wait3A_157, %dma_wait3A_158] : memref<10000x128xf32, #tpu.memory_space<hbm>> -> memref<10000x128xf32, #tpu.memory_space<hbm>>
      tpu.wait_indirect_dma semaphore(%arg13 : memref<!tpu.dma_semaphore, #tpu.memory_space<semaphore_mem>>) src(%dma_wait3A_159 : memref<10000x128xf32, #tpu.memory_space<hbm>>) dst(%dma_wait3A_153 : memref<120x128xf32, #tpu.memory_space<vmem>>)
      %jit3A_160 = arith.constant 3 : i32
      %eq3A_161 = arith.constant 0 : i32
      %eq3A_162 = arith.cmpi eq, %jit3A_160, %eq3A_161 : i32
      %jit3A_163 = arith.constant 1 : i32
      %select_n3A_164 = arith.select %eq3A_162, %jit3A_163, %jit3A_160 : i32
      %rem3A_165 = arith.remsi %max3A_124, %select_n3A_164 : i32
      %ne3A_166 = arith.constant 0 : i32
      %ne3A_167 = arith.cmpi ne, %rem3A_165, %ne3A_166 : i32
      %lt3A_168 = arith.constant 0 : i32
      %lt3A_169 = arith.cmpi slt, %rem3A_165, %lt3A_168 : i32
      %lt3A_170 = arith.constant 0 : i32
      %lt3A_171 = arith.cmpi slt, %select_n3A_164, %lt3A_170 : i32
      %ne3A_172 = arith.xori %lt3A_169, %lt3A_171 : i1
      %and3A_173 = arith.andi %ne3A_172, %ne3A_167 : i1
      %add3A_174 = arith.addi %rem3A_165, %select_n3A_164 : i32
      %select_n3A_175 = arith.select %and3A_173, %add3A_174, %rem3A_165 : i32
      %jit3A_176 = arith.constant 4 : i32
      %eq3A_177 = arith.constant 0 : i32
      %eq3A_178 = arith.cmpi eq, %jit3A_176, %eq3A_177 : i32
      %jit3A_179 = arith.constant 1 : i32
      %select_n3A_180 = arith.select %eq3A_178, %jit3A_179, %jit3A_176 : i32
      %rem3A_181 = arith.remsi %max3A_124, %select_n3A_180 : i32
      %ne3A_182 = arith.constant 0 : i32
      %ne3A_183 = arith.cmpi ne, %rem3A_181, %ne3A_182 : i32
      %lt3A_184 = arith.constant 0 : i32
      %lt3A_185 = arith.cmpi slt, %rem3A_181, %lt3A_184 : i32
      %lt3A_186 = arith.constant 0 : i32
      %lt3A_187 = arith.cmpi slt, %select_n3A_180, %lt3A_186 : i32
      %ne3A_188 = arith.xori %lt3A_185, %lt3A_187 : i1
      %and3A_189 = arith.andi %ne3A_188, %ne3A_183 : i1
      %add3A_190 = arith.addi %rem3A_181, %select_n3A_180 : i32
      %select_n3A_191 = arith.select %and3A_189, %add3A_190, %rem3A_181 : i32
      %gt3A = arith.constant 0 : i32
      %gt3A_192 = arith.cmpi sgt, %scan3A_112, %gt3A : i32
      %convert_element_type3A_193 = arith.extui %gt3A_192 : i1 to i32
      %cond3A_194 = arith.constant 0 : i32
      %cond3A_195 = arith.cmpi ne, %convert_element_type3A_193, %cond3A_194 : i32
      scf.if %cond3A_195 {
        %dma_wait3A_232 = arith.constant 0 : i32
        %dma_wait3A_233 = arith.constant 0 : i32
        %dma_wait3A_234 = tpu.memref_slice %arg9[%select_n3A_175, %dma_wait3A_232, %dma_wait3A_233] : memref<3x120x128xf32, #tpu.memory_space<vmem>> -> memref<1x120x128xf32, #tpu.memory_space<vmem>>
        %dma_wait3A_235 = tpu.memref_squeeze %dma_wait3A_234 : memref<1x120x128xf32, #tpu.memory_space<vmem>> -> memref<120x128xf32, #tpu.memory_space<vmem>>
        %dma_wait3A_236 = arith.constant 0 : i32
        %dma_wait3A_237 = tpu.memref_slice %arg8[%select_n3A_191, %dma_wait3A_236] : memref<4x120xi32, #tpu.memory_space<vmem>> -> memref<1x120xi32, #tpu.memory_space<vmem>>
        %dma_wait3A_238 = tpu.memref_squeeze %dma_wait3A_237 : memref<1x120xi32, #tpu.memory_space<vmem>> -> memref<120xi32, #tpu.memory_space<vmem>>
        %dma_wait3A_239 = arith.constant 0 : i32
        %dma_wait3A_240 = arith.constant 0 : i32
        %dma_wait3A_241 = tpu.memref_slice %arg6[%dma_wait3A_239, %dma_wait3A_240] : memref<10008x128xf32, #tpu.memory_space<vmem_shared>> -> memref<10008x128xf32, #tpu.memory_space<vmem_shared>>
        tpu.wait_indirect_dma semaphore(%arg14 : memref<!tpu.dma_semaphore, #tpu.memory_space<semaphore_mem>>) src(%dma_wait3A_235 : memref<120x128xf32, #tpu.memory_space<vmem>>) dst(%dma_wait3A_241 : memref<10008x128xf32, #tpu.memory_space<vmem_shared>>)
      } else {
      }
      %lt3A_196 = arith.constant 83 : i32
      %lt3A_197 = arith.cmpi slt, %sub3A_128, %lt3A_196 : i32
      %convert_element_type3A_198 = arith.extui %lt3A_197 : i1 to i32
      %cond3A_199 = arith.constant 0 : i32
      %cond3A_200 = arith.cmpi ne, %convert_element_type3A_198, %cond3A_199 : i32
      scf.if %cond3A_200 {
        %mul3A_232 = arith.constant 120 : i32
        %mul3A_233 = arith.muli %min3A_129, %mul3A_232 : i32
        %add3A_234 = arith.addi %mul3A_2, %mul3A_233 : i32
        %jit3A_235 = arith.constant 4 : i32
        %eq3A_236 = arith.constant 0 : i32
        %eq3A_237 = arith.cmpi eq, %jit3A_235, %eq3A_236 : i32
        %jit3A_238 = arith.constant 1 : i32
        %select_n3A_239 = arith.select %eq3A_237, %jit3A_238, %jit3A_235 : i32
        %rem3A_240 = arith.remsi %min3A_129, %select_n3A_239 : i32
        %ne3A_241 = arith.constant 0 : i32
        %ne3A_242 = arith.cmpi ne, %rem3A_240, %ne3A_241 : i32
        %lt3A_243 = arith.constant 0 : i32
        %lt3A_244 = arith.cmpi slt, %rem3A_240, %lt3A_243 : i32
        %lt3A_245 = arith.constant 0 : i32
        %lt3A_246 = arith.cmpi slt, %select_n3A_239, %lt3A_245 : i32
        %ne3A_247 = arith.xori %lt3A_244, %lt3A_246 : i1
        %and3A_248 = arith.andi %ne3A_247, %ne3A_242 : i1
        %add3A_249 = arith.addi %rem3A_240, %select_n3A_239 : i32
        %select_n3A_250 = arith.select %and3A_248, %add3A_249, %rem3A_240 : i32
        %dma_wait3A_251 = arith.constant 0 : i32
        %dma_wait3A_252 = tpu.memref_slice %arg7[%select_n3A_250, %dma_wait3A_251] : memref<4x120xi32, #tpu.memory_space<vmem>> -> memref<1x120xi32, #tpu.memory_space<vmem>>
        %dma_wait3A_253 = tpu.memref_squeeze %dma_wait3A_252 : memref<1x120xi32, #tpu.memory_space<vmem>> -> memref<120xi32, #tpu.memory_space<vmem>>
        %dma_wait3A_254 = tpu.memref_slice %arg3[%add3A_234] : memref<640000xi32, #tpu.memory_space<hbm>> -> memref<120xi32, #tpu.memory_space<hbm>>
        %dma_wait3A_255 = arith.constant 0 : i32
        %dma_wait3A_256 = tpu.memref_slice %arg7[%select_n3A_250, %dma_wait3A_255] : memref<4x120xi32, #tpu.memory_space<vmem>> -> memref<1x120xi32, #tpu.memory_space<vmem>>
        %dma_wait3A_257 = tpu.memref_squeeze %dma_wait3A_256 : memref<1x120xi32, #tpu.memory_space<vmem>> -> memref<120xi32, #tpu.memory_space<vmem>>
        %dma_wait3A_258 = tpu.memref_slice %arg3[%add3A_234] : memref<640000xi32, #tpu.memory_space<hbm>> -> memref<120xi32, #tpu.memory_space<hbm>>
        tpu.wait_dma2 semaphore(%arg12 : memref<!tpu.dma_semaphore, #tpu.memory_space<semaphore_mem>>) src(%dma_wait3A_258 : memref<120xi32, #tpu.memory_space<hbm>>) dst(%dma_wait3A_257 : memref<120xi32, #tpu.memory_space<vmem>>)
        %add3A_259 = arith.constant 320000 : i32
        %add3A_260 = arith.addi %add3A_259, %mul3A_2 : i32
        %mul3A_261 = arith.constant 120 : i32
        %mul3A_262 = arith.muli %min3A_129, %mul3A_261 : i32
        %add3A_263 = arith.addi %add3A_260, %mul3A_262 : i32
        %jit3A_264 = arith.constant 4 : i32
        %eq3A_265 = arith.constant 0 : i32
        %eq3A_266 = arith.cmpi eq, %jit3A_264, %eq3A_265 : i32
        %jit3A_267 = arith.constant 1 : i32
        %select_n3A_268 = arith.select %eq3A_266, %jit3A_267, %jit3A_264 : i32
        %rem3A_269 = arith.remsi %min3A_129, %select_n3A_268 : i32
        %ne3A_270 = arith.constant 0 : i32
        %ne3A_271 = arith.cmpi ne, %rem3A_269, %ne3A_270 : i32
        %lt3A_272 = arith.constant 0 : i32
        %lt3A_273 = arith.cmpi slt, %rem3A_269, %lt3A_272 : i32
        %lt3A_274 = arith.constant 0 : i32
        %lt3A_275 = arith.cmpi slt, %select_n3A_268, %lt3A_274 : i32
        %ne3A_276 = arith.xori %lt3A_273, %lt3A_275 : i1
        %and3A_277 = arith.andi %ne3A_276, %ne3A_271 : i1
        %add3A_278 = arith.addi %rem3A_269, %select_n3A_268 : i32
        %select_n3A_279 = arith.select %and3A_277, %add3A_278, %rem3A_269 : i32
        %dma_wait3A_280 = arith.constant 0 : i32
        %dma_wait3A_281 = tpu.memref_slice %arg8[%select_n3A_279, %dma_wait3A_280] : memref<4x120xi32, #tpu.memory_space<vmem>> -> memref<1x120xi32, #tpu.memory_space<vmem>>
        %dma_wait3A_282 = tpu.memref_squeeze %dma_wait3A_281 : memref<1x120xi32, #tpu.memory_space<vmem>> -> memref<120xi32, #tpu.memory_space<vmem>>
        %dma_wait3A_283 = tpu.memref_slice %arg3[%add3A_263] : memref<640000xi32, #tpu.memory_space<hbm>> -> memref<120xi32, #tpu.memory_space<hbm>>
        %dma_wait3A_284 = arith.constant 0 : i32
        %dma_wait3A_285 = tpu.memref_slice %arg8[%select_n3A_279, %dma_wait3A_284] : memref<4x120xi32, #tpu.memory_space<vmem>> -> memref<1x120xi32, #tpu.memory_space<vmem>>
        %dma_wait3A_286 = tpu.memref_squeeze %dma_wait3A_285 : memref<1x120xi32, #tpu.memory_space<vmem>> -> memref<120xi32, #tpu.memory_space<vmem>>
        %dma_wait3A_287 = tpu.memref_slice %arg3[%add3A_263] : memref<640000xi32, #tpu.memory_space<hbm>> -> memref<120xi32, #tpu.memory_space<hbm>>
        tpu.wait_dma2 semaphore(%arg12 : memref<!tpu.dma_semaphore, #tpu.memory_space<semaphore_mem>>) src(%dma_wait3A_287 : memref<120xi32, #tpu.memory_space<hbm>>) dst(%dma_wait3A_286 : memref<120xi32, #tpu.memory_space<vmem>>)
        %jit3A_288 = arith.constant 4 : i32
        %eq3A_289 = arith.constant 0 : i32
        %eq3A_290 = arith.cmpi eq, %jit3A_288, %eq3A_289 : i32
        %jit3A_291 = arith.constant 1 : i32
        %select_n3A_292 = arith.select %eq3A_290, %jit3A_291, %jit3A_288 : i32
        %rem3A_293 = arith.remsi %min3A_129, %select_n3A_292 : i32
        %ne3A_294 = arith.constant 0 : i32
        %ne3A_295 = arith.cmpi ne, %rem3A_293, %ne3A_294 : i32
        %lt3A_296 = arith.constant 0 : i32
        %lt3A_297 = arith.cmpi slt, %rem3A_293, %lt3A_296 : i32
        %lt3A_298 = arith.constant 0 : i32
        %lt3A_299 = arith.cmpi slt, %select_n3A_292, %lt3A_298 : i32
        %ne3A_300 = arith.xori %lt3A_297, %lt3A_299 : i1
        %and3A_301 = arith.andi %ne3A_300, %ne3A_295 : i1
        %add3A_302 = arith.addi %rem3A_293, %select_n3A_292 : i32
        %select_n3A_303 = arith.select %and3A_301, %add3A_302, %rem3A_293 : i32
        %jit3A_304 = arith.constant 3 : i32
        %eq3A_305 = arith.constant 0 : i32
        %eq3A_306 = arith.cmpi eq, %jit3A_304, %eq3A_305 : i32
        %jit3A_307 = arith.constant 1 : i32
        %select_n3A_308 = arith.select %eq3A_306, %jit3A_307, %jit3A_304 : i32
        %rem3A_309 = arith.remsi %min3A_129, %select_n3A_308 : i32
        %ne3A_310 = arith.constant 0 : i32
        %ne3A_311 = arith.cmpi ne, %rem3A_309, %ne3A_310 : i32
        %lt3A_312 = arith.constant 0 : i32
        %lt3A_313 = arith.cmpi slt, %rem3A_309, %lt3A_312 : i32
        %lt3A_314 = arith.constant 0 : i32
        %lt3A_315 = arith.cmpi slt, %select_n3A_308, %lt3A_314 : i32
        %ne3A_316 = arith.xori %lt3A_313, %lt3A_315 : i1
        %and3A_317 = arith.andi %ne3A_316, %ne3A_311 : i1
        %add3A_318 = arith.addi %rem3A_309, %select_n3A_308 : i32
        %select_n3A_319 = arith.select %and3A_317, %add3A_318, %rem3A_309 : i32
        %dma_start3A_320 = arith.constant 0 : i32
        %dma_start3A_321 = arith.constant 0 : i32
        %dma_start3A_322 = tpu.memref_slice %arg9[%select_n3A_319, %dma_start3A_320, %dma_start3A_321] : memref<3x120x128xf32, #tpu.memory_space<vmem>> -> memref<1x120x128xf32, #tpu.memory_space<vmem>>
        %dma_start3A_323 = tpu.memref_squeeze %dma_start3A_322 : memref<1x120x128xf32, #tpu.memory_space<vmem>> -> memref<120x128xf32, #tpu.memory_space<vmem>>
        %dma_start3A_324 = arith.constant 0 : i32
        %dma_start3A_325 = tpu.memref_slice %arg7[%select_n3A_303, %dma_start3A_324] : memref<4x120xi32, #tpu.memory_space<vmem>> -> memref<1x120xi32, #tpu.memory_space<vmem>>
        %dma_start3A_326 = tpu.memref_squeeze %dma_start3A_325 : memref<1x120xi32, #tpu.memory_space<vmem>> -> memref<120xi32, #tpu.memory_space<vmem>>
        %dma_start3A_327 = arith.constant 0 : i32
        %dma_start3A_328 = arith.constant 0 : i32
        %dma_start3A_329 = tpu.memref_slice %arg2[%dma_start3A_327, %dma_start3A_328] : memref<10000x128xf32, #tpu.memory_space<hbm>> -> memref<10000x128xf32, #tpu.memory_space<hbm>>
        tpu.enqueue_indirect_dma source(%dma_start3A_329 : memref<10000x128xf32, #tpu.memory_space<hbm>>) target(%dma_start3A_323 : memref<120x128xf32, #tpu.memory_space<vmem>>) offsets(%dma_start3A_326 : memref<120xi32, #tpu.memory_space<vmem>>) semaphore(%arg13 : memref<!tpu.dma_semaphore, #tpu.memory_space<semaphore_mem>>)
      } else {
      }
      %jit3A_201 = arith.constant 4 : i32
      %eq3A_202 = arith.constant 0 : i32
      %eq3A_203 = arith.cmpi eq, %jit3A_201, %eq3A_202 : i32
      %jit3A_204 = arith.constant 1 : i32
      %select_n3A_205 = arith.select %eq3A_203, %jit3A_204, %jit3A_201 : i32
      %rem3A_206 = arith.remsi %scan3A_112, %select_n3A_205 : i32
      %ne3A_207 = arith.constant 0 : i32
      %ne3A_208 = arith.cmpi ne, %rem3A_206, %ne3A_207 : i32
      %lt3A_209 = arith.constant 0 : i32
      %lt3A_210 = arith.cmpi slt, %rem3A_206, %lt3A_209 : i32
      %lt3A_211 = arith.constant 0 : i32
      %lt3A_212 = arith.cmpi slt, %select_n3A_205, %lt3A_211 : i32
      %ne3A_213 = arith.xori %lt3A_210, %lt3A_212 : i1
      %and3A_214 = arith.andi %ne3A_213, %ne3A_208 : i1
      %add3A_215 = arith.addi %rem3A_206, %select_n3A_205 : i32
      %select_n3A_216 = arith.select %and3A_214, %add3A_215, %rem3A_206 : i32
      %dma_start3A_217 = arith.constant 0 : i32
      %dma_start3A_218 = arith.constant 0 : i32
      %dma_start3A_219 = tpu.memref_slice %arg9[%select_n3A_122, %dma_start3A_217, %dma_start3A_218] : memref<3x120x128xf32, #tpu.memory_space<vmem>> -> memref<1x120x128xf32, #tpu.memory_space<vmem>>
      %dma_start3A_220 = tpu.memref_squeeze %dma_start3A_219 : memref<1x120x128xf32, #tpu.memory_space<vmem>> -> memref<120x128xf32, #tpu.memory_space<vmem>>
      %dma_start3A_221 = arith.constant 0 : i32
      %dma_start3A_222 = tpu.memref_slice %arg8[%select_n3A_216, %dma_start3A_221] : memref<4x120xi32, #tpu.memory_space<vmem>> -> memref<1x120xi32, #tpu.memory_space<vmem>>
      %dma_start3A_223 = tpu.memref_squeeze %dma_start3A_222 : memref<1x120xi32, #tpu.memory_space<vmem>> -> memref<120xi32, #tpu.memory_space<vmem>>
      %dma_start3A_224 = arith.constant 0 : i32
      %dma_start3A_225 = arith.constant 0 : i32
      %dma_start3A_226 = tpu.memref_slice %arg6[%dma_start3A_224, %dma_start3A_225] : memref<10008x128xf32, #tpu.memory_space<vmem_shared>> -> memref<10008x128xf32, #tpu.memory_space<vmem_shared>>
      tpu.enqueue_indirect_dma source(%dma_start3A_220 : memref<120x128xf32, #tpu.memory_space<vmem>>) target(%dma_start3A_226 : memref<10008x128xf32, #tpu.memory_space<vmem_shared>>) offsets(%dma_start3A_223 : memref<120xi32, #tpu.memory_space<vmem>>) semaphore(%arg14 : memref<!tpu.dma_semaphore, #tpu.memory_space<semaphore_mem>>) {add = true}
      %lt3A_227 = arith.constant 83 : i32
      %lt3A_228 = arith.cmpi slt, %add3A_131, %lt3A_227 : i32
      %convert_element_type3A_229 = arith.extui %lt3A_228 : i1 to i32
      %cond3A_230 = arith.constant 0 : i32
      %cond3A_231 = arith.cmpi ne, %convert_element_type3A_229, %cond3A_230 : i32
      scf.if %cond3A_231 {
        %mul3A_232 = arith.constant 120 : i32
        %mul3A_233 = arith.muli %min3A_133, %mul3A_232 : i32
        %add3A_234 = arith.addi %mul3A_2, %mul3A_233 : i32
        %jit3A_235 = arith.constant 4 : i32
        %eq3A_236 = arith.constant 0 : i32
        %eq3A_237 = arith.cmpi eq, %jit3A_235, %eq3A_236 : i32
        %jit3A_238 = arith.constant 1 : i32
        %select_n3A_239 = arith.select %eq3A_237, %jit3A_238, %jit3A_235 : i32
        %rem3A_240 = arith.remsi %min3A_133, %select_n3A_239 : i32
        %ne3A_241 = arith.constant 0 : i32
        %ne3A_242 = arith.cmpi ne, %rem3A_240, %ne3A_241 : i32
        %lt3A_243 = arith.constant 0 : i32
        %lt3A_244 = arith.cmpi slt, %rem3A_240, %lt3A_243 : i32
        %lt3A_245 = arith.constant 0 : i32
        %lt3A_246 = arith.cmpi slt, %select_n3A_239, %lt3A_245 : i32
        %ne3A_247 = arith.xori %lt3A_244, %lt3A_246 : i1
        %and3A_248 = arith.andi %ne3A_247, %ne3A_242 : i1
        %add3A_249 = arith.addi %rem3A_240, %select_n3A_239 : i32
        %select_n3A_250 = arith.select %and3A_248, %add3A_249, %rem3A_240 : i32
        %dma_start3A_251 = arith.constant 0 : i32
        %dma_start3A_252 = tpu.memref_slice %arg7[%select_n3A_250, %dma_start3A_251] : memref<4x120xi32, #tpu.memory_space<vmem>> -> memref<1x120xi32, #tpu.memory_space<vmem>>
        %dma_start3A_253 = tpu.memref_squeeze %dma_start3A_252 : memref<1x120xi32, #tpu.memory_space<vmem>> -> memref<120xi32, #tpu.memory_space<vmem>>
        %dma_start3A_254 = tpu.memref_slice %arg3[%add3A_234] : memref<640000xi32, #tpu.memory_space<hbm>> -> memref<120xi32, #tpu.memory_space<hbm>>
        %dma_start3A_255 = arith.constant 0 : i32
        %dma_start3A_256 = tpu.memref_slice %arg7[%select_n3A_250, %dma_start3A_255] : memref<4x120xi32, #tpu.memory_space<vmem>> -> memref<1x120xi32, #tpu.memory_space<vmem>>
        %dma_start3A_257 = tpu.memref_squeeze %dma_start3A_256 : memref<1x120xi32, #tpu.memory_space<vmem>> -> memref<120xi32, #tpu.memory_space<vmem>>
        %dma_start3A_258 = tpu.memref_slice %arg3[%add3A_234] : memref<640000xi32, #tpu.memory_space<hbm>> -> memref<120xi32, #tpu.memory_space<hbm>>
        tpu.enqueue_dma source(%dma_start3A_258 : memref<120xi32, #tpu.memory_space<hbm>>) target(%dma_start3A_257 : memref<120xi32, #tpu.memory_space<vmem>>) target_semaphore(%arg12 : memref<!tpu.dma_semaphore, #tpu.memory_space<semaphore_mem>>)
        %add3A_259 = arith.constant 320000 : i32
        %add3A_260 = arith.addi %add3A_259, %mul3A_2 : i32
        %mul3A_261 = arith.constant 120 : i32
        %mul3A_262 = arith.muli %min3A_133, %mul3A_261 : i32
        %add3A_263 = arith.addi %add3A_260, %mul3A_262 : i32
        %jit3A_264 = arith.constant 4 : i32
        %eq3A_265 = arith.constant 0 : i32
        %eq3A_266 = arith.cmpi eq, %jit3A_264, %eq3A_265 : i32
        %jit3A_267 = arith.constant 1 : i32
        %select_n3A_268 = arith.select %eq3A_266, %jit3A_267, %jit3A_264 : i32
        %rem3A_269 = arith.remsi %min3A_133, %select_n3A_268 : i32
        %ne3A_270 = arith.constant 0 : i32
        %ne3A_271 = arith.cmpi ne, %rem3A_269, %ne3A_270 : i32
        %lt3A_272 = arith.constant 0 : i32
        %lt3A_273 = arith.cmpi slt, %rem3A_269, %lt3A_272 : i32
        %lt3A_274 = arith.constant 0 : i32
        %lt3A_275 = arith.cmpi slt, %select_n3A_268, %lt3A_274 : i32
        %ne3A_276 = arith.xori %lt3A_273, %lt3A_275 : i1
        %and3A_277 = arith.andi %ne3A_276, %ne3A_271 : i1
        %add3A_278 = arith.addi %rem3A_269, %select_n3A_268 : i32
        %select_n3A_279 = arith.select %and3A_277, %add3A_278, %rem3A_269 : i32
        %dma_start3A_280 = arith.constant 0 : i32
        %dma_start3A_281 = tpu.memref_slice %arg8[%select_n3A_279, %dma_start3A_280] : memref<4x120xi32, #tpu.memory_space<vmem>> -> memref<1x120xi32, #tpu.memory_space<vmem>>
        %dma_start3A_282 = tpu.memref_squeeze %dma_start3A_281 : memref<1x120xi32, #tpu.memory_space<vmem>> -> memref<120xi32, #tpu.memory_space<vmem>>
        %dma_start3A_283 = tpu.memref_slice %arg3[%add3A_263] : memref<640000xi32, #tpu.memory_space<hbm>> -> memref<120xi32, #tpu.memory_space<hbm>>
        %dma_start3A_284 = arith.constant 0 : i32
        %dma_start3A_285 = tpu.memref_slice %arg8[%select_n3A_279, %dma_start3A_284] : memref<4x120xi32, #tpu.memory_space<vmem>> -> memref<1x120xi32, #tpu.memory_space<vmem>>
        %dma_start3A_286 = tpu.memref_squeeze %dma_start3A_285 : memref<1x120xi32, #tpu.memory_space<vmem>> -> memref<120xi32, #tpu.memory_space<vmem>>
        %dma_start3A_287 = tpu.memref_slice %arg3[%add3A_263] : memref<640000xi32, #tpu.memory_space<hbm>> -> memref<120xi32, #tpu.memory_space<hbm>>
        tpu.enqueue_dma source(%dma_start3A_287 : memref<120xi32, #tpu.memory_space<hbm>>) target(%dma_start3A_286 : memref<120xi32, #tpu.memory_space<vmem>>) target_semaphore(%arg12 : memref<!tpu.dma_semaphore, #tpu.memory_space<semaphore_mem>>)
      } else {
      }
    }
    %scan3A_71 = arith.constant 83 : i32
    %dma_wait3A = arith.constant 1 : i32
    %dma_wait3A_72 = arith.constant 2 : i32
    %dma_wait3A_73 = arith.constant 0 : i32
    %dma_wait3A_74 = arith.constant 0 : i32
    %dma_wait3A_75 = tpu.memref_slice %arg9[%dma_wait3A, %dma_wait3A_73, %dma_wait3A_74] : memref<3x120x128xf32, #tpu.memory_space<vmem>> -> memref<1x120x128xf32, #tpu.memory_space<vmem>>
    %dma_wait3A_76 = tpu.memref_squeeze %dma_wait3A_75 : memref<1x120x128xf32, #tpu.memory_space<vmem>> -> memref<120x128xf32, #tpu.memory_space<vmem>>
    %dma_wait3A_77 = arith.constant 0 : i32
    %dma_wait3A_78 = tpu.memref_slice %arg8[%dma_wait3A_72, %dma_wait3A_77] : memref<4x120xi32, #tpu.memory_space<vmem>> -> memref<1x120xi32, #tpu.memory_space<vmem>>
    %dma_wait3A_79 = tpu.memref_squeeze %dma_wait3A_78 : memref<1x120xi32, #tpu.memory_space<vmem>> -> memref<120xi32, #tpu.memory_space<vmem>>
    %dma_wait3A_80 = arith.constant 0 : i32
    %dma_wait3A_81 = arith.constant 0 : i32
    %dma_wait3A_82 = tpu.memref_slice %arg6[%dma_wait3A_80, %dma_wait3A_81] : memref<10008x128xf32, #tpu.memory_space<vmem_shared>> -> memref<10008x128xf32, #tpu.memory_space<vmem_shared>>
    tpu.wait_indirect_dma semaphore(%arg14 : memref<!tpu.dma_semaphore, #tpu.memory_space<semaphore_mem>>) src(%dma_wait3A_76 : memref<120x128xf32, #tpu.memory_space<vmem>>) dst(%dma_wait3A_82 : memref<10008x128xf32, #tpu.memory_space<vmem_shared>>)
    %add3A_83 = arith.constant 9960 : i32
    %add3A_84 = arith.addi %mul3A_2, %add3A_83 : i32
    "tpu.region"() ({
      %run_scoped3A_112 = tpu.sem_alloc : memref<!tpu.dma_semaphore, #tpu.memory_space<semaphore_mem>>
      %dma_start3A_113 = tpu.memref_slice %arg3[%add3A_84] : memref<640000xi32, #tpu.memory_space<hbm>> -> memref<40xi32, #tpu.memory_space<hbm>>
      %dma_start3A_114 = tpu.memref_slice %arg3[%add3A_84] : memref<640000xi32, #tpu.memory_space<hbm>> -> memref<40xi32, #tpu.memory_space<hbm>>
      tpu.enqueue_dma source(%dma_start3A_114 : memref<40xi32, #tpu.memory_space<hbm>>) target(%arg10 : memref<40xi32, #tpu.memory_space<vmem>>) target_semaphore(%run_scoped3A_112 : memref<!tpu.dma_semaphore, #tpu.memory_space<semaphore_mem>>)
      %dma_wait3A_115 = tpu.memref_slice %arg3[%add3A_84] : memref<640000xi32, #tpu.memory_space<hbm>> -> memref<40xi32, #tpu.memory_space<hbm>>
      %dma_wait3A_116 = tpu.memref_slice %arg3[%add3A_84] : memref<640000xi32, #tpu.memory_space<hbm>> -> memref<40xi32, #tpu.memory_space<hbm>>
      tpu.wait_dma2 semaphore(%run_scoped3A_112 : memref<!tpu.dma_semaphore, #tpu.memory_space<semaphore_mem>>) src(%dma_wait3A_116 : memref<40xi32, #tpu.memory_space<hbm>>) dst(%arg10 : memref<40xi32, #tpu.memory_space<vmem>>)
      tpu.yield
    }) : () -> ()
    %add3A_85 = arith.constant 320000 : i32
    %add3A_86 = arith.addi %add3A_85, %mul3A_2 : i32
    %add3A_87 = arith.constant 9960 : i32
    %add3A_88 = arith.addi %add3A_86, %add3A_87 : i32
    "tpu.region"() ({
      %run_scoped3A_112 = tpu.sem_alloc : memref<!tpu.dma_semaphore, #tpu.memory_space<semaphore_mem>>
      %dma_start3A_113 = tpu.memref_slice %arg3[%add3A_88] : memref<640000xi32, #tpu.memory_space<hbm>> -> memref<40xi32, #tpu.memory_space<hbm>>
      %dma_start3A_114 = tpu.memref_slice %arg3[%add3A_88] : memref<640000xi32, #tpu.memory_space<hbm>> -> memref<40xi32, #tpu.memory_space<hbm>>
      tpu.enqueue_dma source(%dma_start3A_114 : memref<40xi32, #tpu.memory_space<hbm>>) target(%arg11 : memref<40xi32, #tpu.memory_space<vmem>>) target_semaphore(%run_scoped3A_112 : memref<!tpu.dma_semaphore, #tpu.memory_space<semaphore_mem>>)
      %dma_wait3A_115 = tpu.memref_slice %arg3[%add3A_88] : memref<640000xi32, #tpu.memory_space<hbm>> -> memref<40xi32, #tpu.memory_space<hbm>>
      %dma_wait3A_116 = tpu.memref_slice %arg3[%add3A_88] : memref<640000xi32, #tpu.memory_space<hbm>> -> memref<40xi32, #tpu.memory_space<hbm>>
      tpu.wait_dma2 semaphore(%run_scoped3A_112 : memref<!tpu.dma_semaphore, #tpu.memory_space<semaphore_mem>>) src(%dma_wait3A_116 : memref<40xi32, #tpu.memory_space<hbm>>) dst(%arg11 : memref<40xi32, #tpu.memory_space<vmem>>)
      tpu.yield
    }) : () -> ()
    %dma_start3A_89 = arith.constant 0 : i32
    %dma_start3A_90 = arith.constant 0 : i32
    %dma_start3A_91 = arith.constant 0 : i32
    %dma_start3A_92 = tpu.memref_slice %arg9[%dma_start3A_89, %dma_start3A_90, %dma_start3A_91] : memref<3x120x128xf32, #tpu.memory_space<vmem>> -> memref<1x40x128xf32, #tpu.memory_space<vmem>>
    %dma_start3A_93 = tpu.memref_squeeze %dma_start3A_92 : memref<1x40x128xf32, #tpu.memory_space<vmem>> -> memref<40x128xf32, #tpu.memory_space<vmem>>
    %dma_start3A_94 = arith.constant 0 : i32
    %dma_start3A_95 = arith.constant 0 : i32
    %dma_start3A_96 = tpu.memref_slice %arg2[%dma_start3A_94, %dma_start3A_95] : memref<10000x128xf32, #tpu.memory_space<hbm>> -> memref<10000x128xf32, #tpu.memory_space<hbm>>
    tpu.enqueue_indirect_dma source(%dma_start3A_96 : memref<10000x128xf32, #tpu.memory_space<hbm>>) target(%dma_start3A_93 : memref<40x128xf32, #tpu.memory_space<vmem>>) offsets(%arg10 : memref<40xi32, #tpu.memory_space<vmem>>) semaphore(%arg13 : memref<!tpu.dma_semaphore, #tpu.memory_space<semaphore_mem>>)
    %dma_wait3A_97 = arith.constant 0 : i32
    %dma_wait3A_98 = arith.constant 0 : i32
    %dma_wait3A_99 = arith.constant 0 : i32
    %dma_wait3A_100 = tpu.memref_slice %arg9[%dma_wait3A_97, %dma_wait3A_98, %dma_wait3A_99] : memref<3x120x128xf32, #tpu.memory_space<vmem>> -> memref<1x40x128xf32, #tpu.memory_space<vmem>>
    %dma_wait3A_101 = tpu.memref_squeeze %dma_wait3A_100 : memref<1x40x128xf32, #tpu.memory_space<vmem>> -> memref<40x128xf32, #tpu.memory_space<vmem>>
    %dma_wait3A_102 = arith.constant 0 : i32
    %dma_wait3A_103 = arith.constant 0 : i32
    %dma_wait3A_104 = tpu.memref_slice %arg2[%dma_wait3A_102, %dma_wait3A_103] : memref<10000x128xf32, #tpu.memory_space<hbm>> -> memref<10000x128xf32, #tpu.memory_space<hbm>>
    tpu.wait_indirect_dma semaphore(%arg13 : memref<!tpu.dma_semaphore, #tpu.memory_space<semaphore_mem>>) src(%dma_wait3A_104 : memref<10000x128xf32, #tpu.memory_space<hbm>>) dst(%dma_wait3A_101 : memref<40x128xf32, #tpu.memory_space<vmem>>)
    %run_scoped3A_105 = arith.constant 0 : i32
    "tpu.region"() ({
      %run_scoped3A_112 = tpu.sem_alloc : memref<!tpu.dma_semaphore, #tpu.memory_space<semaphore_mem>>
      %dma_start3A_113 = arith.constant 0 : i32
      %dma_start3A_114 = arith.constant 0 : i32
      %dma_start3A_115 = tpu.memref_slice %arg9[%run_scoped3A_105, %dma_start3A_113, %dma_start3A_114] : memref<3x120x128xf32, #tpu.memory_space<vmem>> -> memref<1x40x128xf32, #tpu.memory_space<vmem>>
      %dma_start3A_116 = tpu.memref_squeeze %dma_start3A_115 : memref<1x40x128xf32, #tpu.memory_space<vmem>> -> memref<40x128xf32, #tpu.memory_space<vmem>>
      %dma_start3A_117 = arith.constant 0 : i32
      %dma_start3A_118 = arith.constant 0 : i32
      %dma_start3A_119 = tpu.memref_slice %arg6[%dma_start3A_117, %dma_start3A_118] : memref<10008x128xf32, #tpu.memory_space<vmem_shared>> -> memref<10008x128xf32, #tpu.memory_space<vmem_shared>>
      tpu.enqueue_indirect_dma source(%dma_start3A_116 : memref<40x128xf32, #tpu.memory_space<vmem>>) target(%dma_start3A_119 : memref<10008x128xf32, #tpu.memory_space<vmem_shared>>) offsets(%arg11 : memref<40xi32, #tpu.memory_space<vmem>>) semaphore(%run_scoped3A_112 : memref<!tpu.dma_semaphore, #tpu.memory_space<semaphore_mem>>) {add = true}
      %dma_wait3A_120 = arith.constant 0 : i32
      %dma_wait3A_121 = arith.constant 0 : i32
      %dma_wait3A_122 = tpu.memref_slice %arg9[%run_scoped3A_105, %dma_wait3A_120, %dma_wait3A_121] : memref<3x120x128xf32, #tpu.memory_space<vmem>> -> memref<1x40x128xf32, #tpu.memory_space<vmem>>
      %dma_wait3A_123 = tpu.memref_squeeze %dma_wait3A_122 : memref<1x40x128xf32, #tpu.memory_space<vmem>> -> memref<40x128xf32, #tpu.memory_space<vmem>>
      %dma_wait3A_124 = arith.constant 0 : i32
      %dma_wait3A_125 = arith.constant 0 : i32
      %dma_wait3A_126 = tpu.memref_slice %arg6[%dma_wait3A_124, %dma_wait3A_125] : memref<10008x128xf32, #tpu.memory_space<vmem_shared>> -> memref<10008x128xf32, #tpu.memory_space<vmem_shared>>
      tpu.wait_indirect_dma semaphore(%run_scoped3A_112 : memref<!tpu.dma_semaphore, #tpu.memory_space<semaphore_mem>>) src(%dma_wait3A_123 : memref<40x128xf32, #tpu.memory_space<vmem>>) dst(%dma_wait3A_126 : memref<10008x128xf32, #tpu.memory_space<vmem_shared>>)
      tpu.yield
    }) : () -> ()
    %barrier3A_106 = arith.constant 0 : index
    tpu.barrier barrier_id(%barrier3A_106)
    %lt3A_107 = arith.constant 10 : i32
    %lt3A_108 = arith.cmpi slt, %arg1, %lt3A_107 : i32
    %convert_element_type3A_109 = arith.extui %lt3A_108 : i1 to i32
    %cond3A_110 = arith.constant 0 : i32
    %cond3A_111 = arith.cmpi ne, %convert_element_type3A_109, %cond3A_110 : i32
    scf.if %cond3A_111 {
      %mul3A_112 = arith.constant 1000 : i32
      %mul3A_113 = arith.muli %arg1, %mul3A_112 : i32
      %mul3A_114 = arith.constant 1000 : i32
      %mul3A_115 = arith.muli %arg1, %mul3A_114 : i32
      "tpu.region"() ({
        %run_scoped3A_116 = tpu.sem_alloc : memref<!tpu.dma_semaphore, #tpu.memory_space<semaphore_mem>>
        %dma_start3A_117 = arith.constant 0 : i32
        %dma_start3A_118 = tpu.memref_slice %arg5[%arg0, %mul3A_115, %dma_start3A_117] : memref<2x10000x128xf32, #tpu.memory_space<hbm>> -> memref<1x1000x128xf32, #tpu.memory_space<hbm>>
        %dma_start3A_119 = tpu.memref_squeeze %dma_start3A_118 : memref<1x1000x128xf32, #tpu.memory_space<hbm>> -> memref<1000x128xf32, #tpu.memory_space<hbm>>
        %dma_start3A_120 = arith.constant 0 : i32
        %dma_start3A_121 = tpu.memref_slice %arg6[%mul3A_113, %dma_start3A_120] : memref<10008x128xf32, #tpu.memory_space<vmem_shared>> -> memref<1000x128xf32, #tpu.memory_space<vmem_shared>>
        tpu.enqueue_dma source(%dma_start3A_121 : memref<1000x128xf32, #tpu.memory_space<vmem_shared>>) target(%dma_start3A_119 : memref<1000x128xf32, #tpu.memory_space<hbm>>) target_semaphore(%run_scoped3A_116 : memref<!tpu.dma_semaphore, #tpu.memory_space<semaphore_mem>>)
        %dma_wait3A_122 = arith.constant 0 : i32
        %dma_wait3A_123 = tpu.memref_slice %arg5[%arg0, %mul3A_115, %dma_wait3A_122] : memref<2x10000x128xf32, #tpu.memory_space<hbm>> -> memref<1x1000x128xf32, #tpu.memory_space<hbm>>
        %dma_wait3A_124 = tpu.memref_squeeze %dma_wait3A_123 : memref<1x1000x128xf32, #tpu.memory_space<hbm>> -> memref<1000x128xf32, #tpu.memory_space<hbm>>
        %dma_wait3A_125 = arith.constant 0 : i32
        %dma_wait3A_126 = tpu.memref_slice %arg6[%mul3A_113, %dma_wait3A_125] : memref<10008x128xf32, #tpu.memory_space<vmem_shared>> -> memref<1000x128xf32, #tpu.memory_space<vmem_shared>>
        tpu.wait_dma2 semaphore(%run_scoped3A_116 : memref<!tpu.dma_semaphore, #tpu.memory_space<semaphore_mem>>) src(%dma_wait3A_126 : memref<1000x128xf32, #tpu.memory_space<vmem_shared>>) dst(%dma_wait3A_124 : memref<1000x128xf32, #tpu.memory_space<hbm>>)
        tpu.yield
      }) : () -> ()
    } else {
    }
    return
  }
}

module attributes {stable_mosaic.version = 14 : i64} {
  func.func @_add_body(%arg0: i32, %arg1: memref<1x1000x128xf32, #tpu.memory_space<vmem>>, %arg2: memref<1x1000x128xf32, #tpu.memory_space<vmem>>, %arg3: memref<1000x128xf32, #tpu.memory_space<vmem>>) attributes {dimension_semantics = [#tpu.dimension_semantics<arbitrary>], iteration_bounds = array<i64: 10>, scalar_prefetch = 0 : i64, scratch_operands = 0 : i64, tpu.core_type = #tpu.core_type<tc>, window_params = [{transform_indices = @transform_0, window_bounds = array<i64: 1, 1000, 128>}, {transform_indices = @transform_1, window_bounds = array<i64: 1, 1000, 128>}, {transform_indices = @transform_2, window_bounds = array<i64: 1000, 128>}]} {
    %get3A = arith.constant 0 : index
    %get3A_0 = arith.constant 0 : index
    %get3A_1 = arith.constant 0 : index
    %get3A_2 = vector.load %arg1[%get3A, %get3A_0, %get3A_1] : memref<1x1000x128xf32, #tpu.memory_space<vmem>>, vector<1x1000x128xf32>
    %get3A_3 = vector.shape_cast %get3A_2 : vector<1x1000x128xf32> to vector<1000x128xf32>
    %get3A_4 = arith.constant 0 : index
    %get3A_5 = arith.constant 0 : index
    %get3A_6 = arith.constant 0 : index
    %get3A_7 = vector.load %arg2[%get3A_4, %get3A_5, %get3A_6] : memref<1x1000x128xf32, #tpu.memory_space<vmem>>, vector<1x1000x128xf32>
    %get3A_8 = vector.shape_cast %get3A_7 : vector<1x1000x128xf32> to vector<1000x128xf32>
    %add3A = arith.addf %get3A_3, %get3A_8 : vector<1000x128xf32>
    %swap3A = arith.constant 0 : index
    %swap3A_9 = arith.constant 0 : index
    %swap3A_10 = vector.load %arg3[%swap3A, %swap3A_9] : memref<1000x128xf32, #tpu.memory_space<vmem>>, vector<1000x128xf32>
    tpu.vector_store %arg3[%swap3A, %swap3A_9], %add3A {strides = array<i32>} : memref<1000x128xf32, #tpu.memory_space<vmem>>, vector<1000x128xf32>,
    return
  }
  func.func @transform_0(%arg0: i32) -> (i32, i32, i32) {
    %c0_i32 = arith.constant 0 : i32
    %c0_i32_0 = arith.constant 0 : i32
    %c0_i32_1 = arith.constant 0 : i32
    return %c0_i32, %arg0, %c0_i32_0 : i32, i32, i32
  }
  func.func @transform_1(%arg0: i32) -> (i32, i32, i32) {
    %c1_i32 = arith.constant 1 : i32
    %c0_i32 = arith.constant 0 : i32
    %c0_i32_0 = arith.constant 0 : i32
    return %c1_i32, %arg0, %c0_i32 : i32, i32, i32
  }
  func.func @transform_2(%arg0: i32) -> (i32, i32) {
    %c0_i32 = arith.constant 0 : i32
    %c0_i32_0 = arith.constant 0 : i32
    return %arg0, %c0_i32 : i32, i32
  }
}

</mosaic_0001>

<sc_bundles>
// kernel: kernel.4.cloned.1.call-start
scs
__scs_entry_jumppad:
0x0: {  	(pc) =	sbr.rel $0x88, $3  }
0x1: {  	(tag) =	ssettag $0x0;
	lr =	simm.s32 $0x1  }
0x2: {  	[smem:$0x3F9F] =	sst lr;
	_ =	strace $0xD0000000  }
0x3: {  	_ = 	snop  }
0x4: {  	_ = 	snop  }
0x5: {  	_ = 	snop  }
0x6: {  	_ = 	snop  }
0x7: {  	_ = 	snop  }
__scs_overlays_trampoline_lowered:
0x8: {  	[smem:$0x3FAE] =	sst s0  }
0x9: {  	[smem:$0x3FAF] =	sst s1  }
0xa: {  	[smem:$0x3FB0] =	sst s2  }
0xb: {  	[smem:$0x3FB1] =	sst s3  }
0xc: {  	[smem:$0x3FB2] =	sst s4  }
0xd: {  	[smem:$0x3FB3] =	sst s5  }
0xe: {  	[smem:$0x3FB4] =	sst s6  }
0xf: {  	[smem:$0x3FB5] =	sst s7  }
0x10: {  	[smem:$0x3FB6] =	sst s8  }
0x11: {  	[smem:$0x3FB7] =	sst s9;
	s0 =	simm.s32 @!p0 $0x0  }
0x12: {  	s1 =	sld [smem:$0x3F9D];
	s0 =	simm.s32 @p0 $0x1  }
0x13: {  	[smem:$0x3FB8] =	sst s0;
	s0 =	simm.s32 @!p1 $0x0  }
0x14: {  	s2 =	sld [smem:$0x3F9C];
	s0 =	simm.s32 @p1 $0x1  }
0x15: {  	[smem:$0x3FB9] =	sst s0;
	s0 =	simm.s32 @!p2 $0x0  }
0x16: {  	s3 =	sld [smem:$0x3FDB];
	s0 =	simm.s32 @p2 $0x1  }
0x17: {  	s4 =	simm.s32 $0x1BF5;
	[smem:$0x3FBB] =	sst s0  }
0x18: {  	s0 =	sld [smem:$0x3F9E];
	_ =	swait.ge [sflag:s4], $0x0  }
0x19: {  	s7 =	sld [smem:$0x3F9F]  }
0x1a: {  	s8 =	sadd.s32 $0xFFFFE003, lr  }
0x1b: {  	s9 =	sadd.s32 $0xFFFFFEF7, lr;
	s5 =	simm.s32 $0xFFFFFFFF;
	p2 =	slt.u32 s8, $0xFFFFF086  }
0x1c: {  	p1 =	slt.u32 s9, $0xF7A;
	s5 =	simm.s32 @!p2 $0x0  }
0x1d: {  	s5 =	simm.s32 @p1 $0x1;
	p0 =	seq.s32 s7, s2  }
0x1e: {  	s7 =	smul.u32 @!p0 $0xF7A, s2;
	p2 =	seq.s32 @!p0 s5, $0x0  }
0x1f: {  	s9 =	smul.u32 $0xF7A, s1;
	s8 =	simm.s32 @!p0 $0x1BF5;
	p2 =	por !p2, p0  }
0x20: {  	[sflag:s8] =	ssyncset.s32 @!p0 $0xFFFFF086;
	s6 =	sadd.s32 @!p0 s3, s7;
	s7 =	simm.s32 @!p0 $0x108  }
0x21: {  	s3 =	sadd.s32 s3, s9;
	s6 =	sadd.s32 @!p0 $0x88, s6;
	s7 =	simm.s32 @p2 $0x1082  }
0x22: {  	[simem:s7], [sflag:s8] =	dma.local @!p0 [hbm:s6], $0xF7A  }
0x23: {  	s9 =	sor.u32 $0xD0000000, s2;
	s6 =	simm.s32 $0x108;
	_ =	swait.ge @!p0 [sflag:s8], $0x0  }
0x24: {  	s3 =	sadd.s32 $0x88, s3;
	s6 =	simm.s32 @!p1 $0x1082;
	[sflag:s4] =	ssyncset.s32 $0xFFFFF086  }
0x25: {  	[simem:s6], [sflag:s4] =	dma.local [hbm:s3], $0xF7A  }
0x26: {  	[smem:$0x3F9F] =	sst s1;
	(tag) =	ssettag s2;
	_ =	strace s9  }
0x27: {  	s1 =	sld [smem:$0x3FAF]  }
0x28: {  	s2 =	sld [smem:$0x3FB0]  }
0x29: {  	s4 =	sld [smem:$0x3FB2]  }
0x2a: {  	p0 =	seq.s32 s5, $0x0;
	s5 =	sld [smem:$0x3FB3]  }
0x2b: {  	s6 =	sld [smem:$0x3FB4]  }
0x2c: {  	s7 =	sld [smem:$0x3FB5]  }
0x2d: {  	s3 =	simm.s32 $0x108;
	s8 =	sld [smem:$0x3FB6]  }
0x2e: {  	s3 =	simm.s32 @!p0 $0x1082;
	s9 =	sld [smem:$0x3FB7]  }
0x2f: {  	lr =	sadd.s32 s0, s3;
	s0 =	sld [smem:$0x3FAE]  }
0x30: {  	s3 =	sld [smem:$0x3FB1]  }
0x31: {  	[smem:$0x3FBA] =	sst s10  }
0x32: {  	s10 =	sld [smem:$0x3FB8];
	_ =	sdelay $0x3  }
0x33: {  	p0 =	seq.s32 s10, $0x1;
	s10 =	sld [smem:$0x3FBA];
	_ =	sdelay $0x3  }
0x34: {  	[smem:$0x3FBA] =	sst s10  }
0x35: {  	s10 =	sld [smem:$0x3FB9];
	_ =	sdelay $0x3  }
0x36: {  	p1 =	seq.s32 s10, $0x1;
	s10 =	sld [smem:$0x3FBA];
	_ =	sdelay $0x3  }
0x37: {  	[smem:$0x3FBA] =	sst s10  }
0x38: {  	s10 =	sld [smem:$0x3FBB]  }
0x39: {  	_ = 	snop;
	(pc) =	sbr.ind lr, $3  }
0x3a: {  	_ = 	snop  }
0x3b: {  	_ = 	snop  }
0x3c: {  	p2 =	seq.s32 s10, $0x1;
	s10 =	sld [smem:$0x3FBA]  }
0x3d: {  	_ =	shalt  }
0x3e: {  	_ =	shalt  }
0x3f: {  	_ =	shalt  }
0x40: {  	_ =	shalt  }
0x41: {  	_ =	shalt  }
0x42: {  	_ =	shalt  }
0x43: {  	_ =	shalt  }
0x44: {  	_ =	shalt  }
0x45: {  	_ =	shalt  }
0x46: {  	_ =	shalt  }
0x47: {  	_ =	shalt  }
0x48: {  	_ =	shalt  }
0x49: {  	_ =	shalt  }
0x4a: {  	_ =	shalt  }
0x4b: {  	_ =	shalt  }
0x4c: {  	_ =	shalt  }
0x4d: {  	_ =	shalt  }
0x4e: {  	_ =	shalt  }
0x4f: {  	_ =	shalt  }
0x50: {  	_ =	shalt  }
0x51: {  	_ =	shalt  }
0x52: {  	_ =	shalt  }
0x53: {  	_ =	shalt  }
0x54: {  	_ =	shalt  }
0x55: {  	_ =	shalt  }
0x56: {  	_ =	shalt  }
0x57: {  	_ =	shalt  }
0x58: {  	_ =	shalt  }
0x59: {  	_ =	shalt  }
0x5a: {  	_ =	shalt  }
0x5b: {  	_ =	shalt  }
0x5c: {  	_ =	shalt  }
0x5d: {  	_ =	shalt  }
0x5e: {  	_ =	shalt  }
0x5f: {  	_ =	shalt  }
0x60: {  	_ =	shalt  }
0x61: {  	_ =	shalt  }
0x62: {  	_ =	shalt  }
0x63: {  	_ =	shalt  }
0x64: {  	_ =	shalt  }
0x65: {  	_ =	shalt  }
0x66: {  	_ =	shalt  }
0x67: {  	_ =	shalt  }
0x68: {  	_ =	shalt  }
0x69: {  	_ =	shalt  }
0x6a: {  	_ =	shalt  }
0x6b: {  	_ =	shalt  }
0x6c: {  	_ =	shalt  }
0x6d: {  	_ =	shalt  }
0x6e: {  	_ =	shalt  }
0x6f: {  	_ =	shalt  }
0x70: {  	_ =	shalt  }
0x71: {  	_ =	shalt  }
0x72: {  	_ =	shalt  }
0x73: {  	_ =	shalt  }
0x74: {  	_ =	shalt  }
0x75: {  	_ =	shalt  }
0x76: {  	_ =	shalt  }
0x77: {  	_ =	shalt  }
0x78: {  	_ =	shalt  }
0x79: {  	_ =	shalt  }
0x7a: {  	_ =	shalt  }
0x7b: {  	_ =	shalt  }
0x7c: {  	_ =	shalt  }
0x7d: {  	_ =	shalt  }
0x7e: {  	_ =	shalt  }
0x7f: {  	_ =	shalt  }
0x80: {  	_ =	shalt  }
0x81: {  	_ =	shalt  }
0x82: {  	_ =	shalt  }
0x83: {  	_ =	shalt  }
0x84: {  	_ =	shalt  }
0x85: {  	_ =	shalt  }
0x86: {  	_ =	shalt  }
0x87: {  	_ =	shalt  }
.Lfunc_end0:
.L_simem_size_0:
called_computation_lowered:
.L_overlay_start_0:
0x88: {  	s2 =	sld [smem:$0x3FD9]  }
0x89: {  	s3 =	sld [smem:$0x3FFE];
	_ =	sdelay $0x1  }
0x8a: {  	s1 =	srdreg.scid  }
0x8b: {  	s0 =	sand.u32 $0x1, s1  }
0x8c: {  	s17 =	sshll.u32 s0, $0xA;
	s2 =	sadd.s32 s3, s2  }
0x8d: {  	s2 =	sadd.s32 s2, s17  }
0x8e: {  	[smem:$0x3FC6] =	sst s2  }
0x8f: {  	_ = 	snop  }
0x90: {  	s2 =	sld [smem:$0x3FC9]  }
0x91: {  	s18 =	sld [smem:$0x3FD0];
	(tm) =	ssettm $0x1  }
0x92: {  	s4 =	sld [smem:$0x3FFB];
	_ =	sdelay $0x3  }
0x93: {  	_ =	strace s4  }
0x94: {  	s4 =	sld [smem:$0x3FFC];
	_ =	sdelay $0x3  }
0x95: {  	_ =	strace s4  }
0x96: {  	s4 =	sld [smem:$0x3FFD];
	_ =	sdelay $0x3  }
0x97: {  	_ =	strace s4  }
0x98: {  	_ =	strace $0x8FFFFFFF  }
0x99: {  	s19 =	sld [smem:$0x3FDB];
	_ =	sdelay $0x1  }
0x9a: {  	s5 =	simm.s32 $_scs_section_size  }
0x9b: {  	s6 =	simm.s32 $_size__tile_overlayer_lowered;
	s7 =	simm.s32 $_tile_overlayer_lowered  }
0x9c: {  	s22 =	simm.s32 $0x1BFF;
	s21 =	sshll.u32 s7, $0x1;
	s4 =	sadd.s32 s5, s19  }
0x9d: {  	s8 =	simm.s32 $0x0;
	s20 =	sshll.u32 s6, $0x1;
	s6 =	sadd.s32 s21, s4  }
0x9e: {  	[timem:s8], [sflag:s22] =	dma.local [hbm:s6], s20  }
0x9f: {  	_ =	swait.ge [sflag:s22], s20  }
0xa0: {  	s5 =	ssub.s32 $0x0, s20;
	[sflag:s22] =	ssyncset.done $0x0  }
0xa1: {  	[sflag:s22] =	ssyncadd.s32 s5;
	_ =	sdelay $0x1  }
0xa2: {  	s23 =	simm.s32 $0x1B8B  }
0xa3: {  	_ =	swait.ge [sflag:s23], $0x1  }
0xa4: {  	[sflag:s23] =	ssyncset.done $0x0  }
0xa5: {  	s25 =	simm.s32 $0x1B8E;
	s24 =	sld [smem:$0x3FFE];
	[sflag:s23] =	ssyncadd.s32 $0xFFFFFFFF  }
0xa6: {  	s26 =	simm.s32 $execute0_lowered;
	[smem:$0x3FD2] =	sst s25  }
0xa7: {  	s6 =	sshll.u32 s26, $0x1;
	_ =	strace $0x80000046;
	[dreg:$0x1] =	wrdreg $0xFFFFFFFF  }
0xa8: {  	s28 =	simm.s32 $_size_execute0_lowered;
	s4 =	sadd.s32 s4, s6;
	[dreg:$0x0] =	wrdreg $0x0  }
0xa9: {  	s6 =	sshll.u32 s28, $0x1;
	[dreg:$0x2] =	wrdreg s4  }
0xaa: {  	[dreg:$0x3] =	wrdreg s6  }
0xab: {  	[dreg:$0x4] =	wrdreg $0xC0  }
0xac: {  	_ =	task [dreg:s8], $0x5FFFF  }
0xad: {  	[dreg:$0x1] =	wrdreg $0xFFFFFFFF  }
0xae: {  	[dreg:$0x0] =	wrdreg $0x60  }
0xaf: {  	[dreg:$0x2] =	wrdreg s2  }
0xb0: {  	[dreg:$0x3] =	wrdreg s18  }
0xb1: {  	[dreg:$0x4] =	wrdreg s24  }
0xb2: {  	[dreg:$0x5] =	wrdreg $0x0  }
0xb3: {  	[dreg:$0x6] =	wrdreg $0x9  }
0xb4: {  	_ =	task.clear_ibuf [dreg:s8], $0x7FFFF;
	_ =	strace $0x90000046  }
0xb5: {  	s29 =	simm.s32 $0x9;
	_ =	strace $0x80000048  }
0xb6: {  	_ =	swait.ge [sflag:s29], $0x1  }
0xb7: {  	[sflag:s29] =	ssyncadd.s32 $0xFFFFFFFF  }
0xb8: {  	_ =	strace $0x90000048  }
0xb9: {  	_ =	sfence  }
0xba: {  	s30 =	sld [smem:$0x0];
	_ =	sdelay $0x2  }
0xbb: {  	s31 =	sshll.u32 s1, $0xD;
	s1 =	sshrl.u32 s1, $0x2  }
0xbc: {  	s3 =	sand.u32 $0x4000, s31;
	s1 =	sadd.s32 s1, s30  }
0xbd: {  	s0 =	sor.u32 s3, s0;
	s1 =	sshll.u32 s1, $0x11  }
0xbe: {  	s0 =	sor.u32 s1, s0  }
0xbf: {  	s0 =	sadd.s32 $0x8F2B, s0  }
0xc0: {  	[sflag:s0] =	ssyncadd.remote.s32 $0x1  }
0xc1: {  	_ =	sfence.sel $0xFFFF  }
0xc2: {  	[dreg:$0x0] =	wrdreg $0xFFFFFFFF;
	(pc) =	sbr.abs _section_cstart, $3  }
0xc3: {  	[dreg:$0x1] =	wrdreg $0xFFFFFFFF  }
0xc4: {  	_ =	task.clear_ibuf [dreg:s8], $0x2FFFF;
	_ =	strace $0x9FFFFFFF  }
0xc5: {  	(tm) =	ssettm $0x7FFFFFFF  }
tec
execute0_lowered:
.L_overlay_start_1:
0x0: {  	(tag) =	ssettag $0x1  }
0x1: {  	s1 =	rddreg [dreg:$0x0]  }
0x2: {  	s2 =	rddreg [dreg:$0x1]  }
0x3: {  	s0 =	rddreg [dreg:$0x2]  }
0x4: {  	s4 =	rddreg [dreg:$0x3]  }
0x5: {  	s3 =	srdreg.scid;
	s12 =	stileid.u32;
	s5 =	simm.s32 $0x0  }
0x6: {  	s28 =	simm.s32 $0x3;
	s29 =	simm.s32 $0x1F0C0;
	s30 =	simm.s32 $0x1F140  }
0x7: {  	s31 =	simm.s32 $0x28;
	s3 =	sand.u32 $0x1, s3;
	s7 =	smul.u32 $0x1F400, s12  }
0x8: {  	s8 =	sshll.u32 s12, $0x1;
	[smem:$0x7FF] =	sst s5;
	s15 =	sadd.s32 $0x600, s0  }
0x9: {  	p0 =	sgt.u32 s12, $0x8;
	p1 =	sgt.u32 s12, $0x9;
	s6 =	smul.u32 $0x138800, s3  }
0xa: {  	s8 =	sor.u32 s3, s8;
	_ =	strace $0x80000047;
	[dreg:$0x5] =	wrdreg s15  }
0xb: {  	s3 =	ssub.s32 $0x2, s3;
	s15 =	smul.u32 $0x8B000, s12;
	s7 =	sadd.s32 s7, s6  }
0xc: {  	s16 =	sshrl.u32 s3, $0x1;
	s6 =	smul.u32 $0x2710, s8;
	s7 =	sshrl.u32 s7, $0x3  }
0xd: {  	s3 =	ssub.s32 s3, s16;
	s23 =	sshrl.u32 s15, $0x2;
	s0 =	sadd.s32 s7, s0  }
0xe: {  	s17 =	sshrl.u32 s6, $0x3;
	s9 =	sadd.s32 $0x4E200, s6;
	s10 =	sadd.s32 $0x78, s6  }
0xf: {  	s11 =	sadd.s32 $0x4E278, s6;
	s24 =	sadd.s32 $0x26E8, s6;
	s25 =	sadd.s32 $0x508E8, s6  }
0x10: {  	s8 =	sadd.s32 s2, s17;
	s18 =	sshrl.u32 s9, $0x3;
	s10 =	sshrl.u32 s10, $0x3  }
0x11: {  	s11 =	sshrl.u32 s11, $0x3;
	s7 =	sadd.s32 s2, s18;
	[dreg:$0x6] =	wrdreg s8  }
0x12: {  	s17 =	smul.u32 $0x7D000, s12;
	s19 =	sadd.s32 s2, s10;
	[dreg:$0x7] =	wrdreg s7  }
0x13: {  	s20 =	sadd.s32 s2, s11;
	s21 =	sadd.s32 $0x1E, s8;
	[dreg:$0x8] =	wrdreg s19  }
0x14: {  	s22 =	sadd.s32 $0x9C5E, s8;
	s10 =	sshrl.u32 s24, $0x3;
	[dreg:$0x9] =	wrdreg s20  }
0x15: {  	s11 =	sshrl.u32 s25, $0x3;
	s18 =	smax.u32 s3, $0x1;
	[dreg:$0xa] =	wrdreg s21  }
0x16: {  	[dreg:$0xb] =	wrdreg s22;
	s7 =	sadd.s32 s23, s4;
	s15 =	sadd.s32 s2, s10  }
.Ltmp0:
0x17: {  	s16 =	sadd.s32 s2, s11;
	s26 =	sshrl.u32 s17, $0x2;
	(pc) =	sbr.rel .LBB2_1-.Ltmp0, $4  }
0x18: {  	s17 =	sadd.s32 $0x4C00, s0;
	s19 =	simm.s32 $0x138C0;
	s20 =	simm.s32 $0x4  }
0x19: {  	s22 =	simm.s32 $0x78;
	s23 =	simm.s32 $0x13CC0;
	s21 =	simm.s32 $0x1  }
0x1a: {  	s0 =	sadd.s32 s26, s4;
	s24 =	sshrl.u32 @!p0 s7, $0x3;
	s26 =	simm.s32 $0x13940  }
0x1b: {  	s7 =	simm.s32 $0x0;
	s25 =	sshrl.u32 @!p1 s0, $0x3;
	s0 =	simm.s32 $0x2  }
.LBB2_6:
0x1c: {  	_ =	swait.ge [sflag:s28], $0x3C00  }
0x1d: {  	[sflag:s28] =	ssyncset.done $0x0  }
0x1e: {  	[sflag:s28] =	ssyncadd.s32 $0xFFFFC400  }
0x1f: {  	[tilespmem:s29], [sflag:$0x4] =	stream.linear.gather [hbm4b:s15+s5], $0x28, $0x38;
	[tilespmem:$0x1F1C0] =	vst v63  }
0x20: {  	_ =	swait.ge [sflag:s20], $0x28  }
0x21: {  	[sflag:s20] =	ssyncset.done $0x0  }
0x22: {  	[sflag:s20] =	ssyncadd.s32 $0xFFFFFFD8  }
0x23: {  	[tilespmem:s30], [sflag:$0x4] =	stream.linear.gather [hbm4b:s16+s5], $0x28, $0x38;
	[tilespmem:$0x1F1C0] =	vst v63  }
0x24: {  	_ =	swait.ge [sflag:s20], $0x28  }
0x25: {  	[sflag:s20] =	ssyncset.done $0x0  }
0x26: {  	[sflag:s20] =	ssyncadd.s32 $0xFFFFFFD8  }
0x27: {  	[tilespmem:s23], [sflag:$0x2] =	stream.indirect.gather [hbm4b:s1+s31], $0x80, s29, s31, $0xb8;
	[tilespmem:$0x1F1C0] =	vst v63  }
0x28: {  	_ =	swait.ge [sflag:s0], $0x1400  }
0x29: {  	[sflag:s0] =	ssyncset.done $0x0  }
0x2a: {  	[sflag:s0] =	ssyncadd.s32 $0xFFFFEC00  }
0x2b: {  	[spmem:s4] =	stream.indirect.scatter.add.f32 [tilespmem:s23], [sflag:$0x4], $0x80, s30, s31, $0xb8;
	[tilespmem:$0x1F1C0] =	vst v63  }
0x2c: {  	_ =	swait.ge [sflag:s20], $0x1400  }
0x2d: {  	s12 =	stileid.u32;
	[sflag:s20] =	ssyncset.done $0x0  }
0x2e: {  	s7 =	sadd.s32 $0x1, s7;
	s3 =	sshll.u32 @!p1 s12, $0x6;
	[sflag:s20] =	ssyncadd.s32 $0xFFFFEC00  }
0x2f: {  	p2 =	sne.s32 s7, s18;
	s3 =	sor.u32 @!p1 $0x1C04, s3;
	[bflag:$0x0] =	sbarrier.arrive $0xFFFF  }
0x30: {  	[hbm:s17], [sflag:s3] =	dma.local @!p1 [spmem:s25], $0x3E80  }
.Ltmp1:
0x31: {  	_ = 	snop;
	(pc) =	sbr.rel @!p2 .LBB2_7-.Ltmp1, $4  }
0x32: {  	s3 =	simm.s32 @!p1 $0x4  }
0x33: {  	_ =	swait.ge @!p1 [sflag:s3], $0x3E80  }
0x34: {  	[sflag:s3] =	ssyncset.done @!p1 $0x0  }
0x35: {  	[sflag:s3] =	ssyncadd.s32 @!p1 $0xFFFFC180  }
.LBB2_1:
0x36: {  	s3 =	rddreg [dreg:$0x6]  }
0x37: {  	[tilespmem:s19], [sflag:$0x4] =	stream.linear.gather [hbm4b:s3+s5], $0x78, $0x38;
	[tilespmem:$0x1F1C0] =	vst v63  }
0x38: {  	_ =	swait.ge [sflag:s20], $0x78  }
0x39: {  	[sflag:s20] =	ssyncset.done $0x0  }
0x3a: {  	s8 =	simm.s32 $0x13AC0;
	s10 =	rddreg [dreg:$0x7];
	[sflag:s20] =	ssyncadd.s32 $0xFFFFFF88  }
0x3b: {  	[tilespmem:s8], [sflag:$0x4] =	stream.linear.gather [hbm4b:s10+s5], $0x78, $0x38;
	[tilespmem:$0x1F1C0] =	vst v63  }
0x3c: {  	_ =	swait.ge [sflag:s20], $0x78  }
0x3d: {  	[sflag:s20] =	ssyncset.done $0x0  }
0x3e: {  	[sflag:s20] =	ssyncadd.s32 $0xFFFFFF88  }
0x3f: {  	[tilespmem:s23], [sflag:$0x2] =	stream.indirect.gather [hbm4b:s1+s22], $0x80, s19, s22, $0xb8;
	[tilespmem:$0x1F1C0] =	vst v63  }
0x40: {  	s11 =	rddreg [dreg:$0x8]  }
0x41: {  	[tilespmem:s26], [sflag:$0x4] =	stream.linear.gather [hbm4b:s11+s5], $0x78, $0x38;
	[tilespmem:$0x1F1C0] =	vst v63  }
0x42: {  	_ =	swait.ge [sflag:s20], $0x78  }
0x43: {  	[sflag:s20] =	ssyncset.done $0x0  }
0x44: {  	s14 =	simm.s32 $0x13B40;
	s13 =	rddreg [dreg:$0x9];
	[sflag:s20] =	ssyncadd.s32 $0xFFFFFF88  }
0x45: {  	[tilespmem:s14], [sflag:$0x4] =	stream.linear.gather [hbm4b:s13+s5], $0x78, $0x38;
	[tilespmem:$0x1F1C0] =	vst v63  }
0x46: {  	_ =	swait.ge [sflag:s20], $0x78  }
0x47: {  	[sflag:s20] =	ssyncset.done $0x0  }
0x48: {  	s8 =	simm.s32 $0x178C0;
	s10 =	rddreg [dreg:$0xa];
	[sflag:s20] =	ssyncadd.s32 $0xFFFFFF88  }
0x49: {  	[tilespmem:s8], [sflag:$0x2] =	stream.indirect.gather [hbm4b:s1+s22], $0x80, s26, s22, $0xb8;
	[tilespmem:$0x1F1C0] =	vst v63  }
0x4a: {  	s3 =	sshll.u32 @!p0 s12, $0x6;
	s11 =	simm.s32 $0x139C0;
	s13 =	rddreg [dreg:$0xb]  }
0x4b: {  	[tilespmem:s11], [sflag:$0x1] =	stream.linear.gather [hbm4b:s10+s5], $0x78, $0x38;
	[tilespmem:$0x1F1C0] =	vst v63  }
0x4c: {  	s3 =	sor.u32 @!p0 $0x1C04, s3;
	s14 =	simm.s32 $0x13BC0;
	s8 =	rddreg [dreg:$0x5]  }
0x4d: {  	[tilespmem:s14], [sflag:$0x1] =	stream.linear.gather [hbm4b:s13+s5], $0x78, $0x38;
	[tilespmem:$0x1F1C0] =	vst v63  }
0x4e: {  	[spmem:s24], [sflag:s3] =	dma.local @!p0 [hbm:s8], $0x4580  }
0x4f: {  	s3 =	simm.s32 @!p0 $0x4  }
.Ltmp2:
0x50: {  	_ =	swait.ge @!p0 [sflag:s3], $0x4580;
	(pc) =	sbr.rel .LBB2_2-.Ltmp2, $4  }
0x51: {  	[sflag:s3] =	ssyncset.done @!p0 $0x0  }
0x52: {  	[sflag:s3] =	ssyncadd.s32 @!p0 $0xFFFFBA80  }
0x53: {  	[bflag:$0x0] =	sbarrier.arrive $0xFFFF  }
0x54: {  	s10 =	simm.s32 $0x0;
	s3 =	simm.s32 $0x0  }
.LBB2_4:
0x55: {  	s12 =	smin.u32 s10, $0x50  }
0x56: {  	s12 =	sadd.s32 $0x2, s12  }
0x57: {  	s13 =	smul.u32 $0xAB, s12;
	_ =	sdelay $0x1  }
0x58: {  	s13 =	sshrl.u32 s13, $0x9  }
0x59: {  	s13 =	smul.u32 $0x3, s13;
	_ =	sdelay $0x1  }
0x5a: {  	_ =	swait.ge [sflag:s21], $0x78;
	s8 =	smin.u32 s10, $0x4F;
	s13 =	ssub.s32 s12, s13  }
0x5b: {  	s14 =	sand.u32 $0x180, s3;
	[sflag:s21] =	ssyncset.done $0x0;
	s13 =	sand.u32 $0xFF, s13  }
0x5c: {  	p2 =	sgt.u32 s10, $0x4F;
	[sflag:s21] =	ssyncadd.s32 $0xFFFFFF88;
	s13 =	smul.u32 $0xF000, s13  }
0x5d: {  	s8 =	sadd.s32 $0x3, s8;
	_ =	swait.ge [sflag:s21], $0x78;
	s12 =	sshll.u32 s12, $0x7  }
0x5e: {  	[sflag:s21] =	ssyncset.done $0x0;
	s12 =	sand.u32 $0x180, s12;
	s13 =	sshrl.u32 s13, $0x2  }
0x5f: {  	[sflag:s21] =	ssyncadd.s32 $0xFFFFFF88;
	s12 =	sadd.s32 $0x138C0, s12;
	s13 =	sadd.s32 $0x13CC0, s13  }
0x60: {  	[tilespmem:s13], [sflag:$0x2] =	stream.indirect.gather [hbm4b:s1+s22], $0x80, s12, s22, $0xb8;
	[tilespmem:$0x1F1C0] =	vst v63  }
0x61: {  	s12 =	sadd.s32 $0x13AC0, s14;
	s13 =	smul.u32 @!p2 $0x78, s8  }
0x62: {  	[spmem:s4] =	stream.indirect.scatter.add.f32 [tilespmem:s11], [sflag:$0x3], $0x80, s12, s22, $0xb8;
	[tilespmem:$0x1F1C0] =	vst v63  }
0x63: {  	s8 =	sshll.u32 @!p2 s8, $0x7;
	s11 =	sadd.s32 @!p2 s6, s13  }
0x64: {  	s8 =	sand.u32 @!p2 $0x180, s8;
	s11 =	sshrl.u32 @!p2 s11, $0x3  }
0x65: {  	s14 =	simm.s32 @!p2 $0x0;
	s12 =	sadd.s32 @!p2 $0x138C0, s8;
	s11 =	sadd.s32 @!p2 s2, s11  }
0x66: {  	[tilespmem:s12], [sflag:$0x1] =	stream.linear.gather @!p2 [hbm4b:s11+s14], $0x78, $0x38;
	[tilespmem:$0x1F1C0] =	vst v63  }
0x67: {  	s11 =	sadd.s32 @!p2 s9, s13  }
0x68: {  	s11 =	sshrl.u32 @!p2 s11, $0x3  }
0x69: {  	s8 =	sadd.s32 @!p2 $0x13AC0, s8;
	s11 =	sadd.s32 @!p2 s2, s11  }
0x6a: {  	[tilespmem:s8], [sflag:$0x1] =	stream.linear.gather @!p2 [hbm4b:s11+s14], $0x78, $0x38;
	[tilespmem:$0x1F1C0] =	vst v63  }
.LBB2_5:
0x6b: {  	s10 =	sadd.s32 $0x1, s10  }
0x6c: {  	p2 =	sne.s32 s10, $0x53  }
.Ltmp3:
0x6d: {  	_ = 	snop;
	(pc) =	sbr.rel @!p2 .LBB2_6-.Ltmp3, $2  }
0x6e: {  	_ =	sdelay $0x2  }
0x6f: {  	s3 =	sadd.s32 $0x80, s3  }
.LBB2_2:
0x70: {  	s11 =	smul.u32 $0xAB, s10;
	_ =	sdelay $0x1  }
0x71: {  	s11 =	sshrl.u32 s11, $0x9  }
0x72: {  	s11 =	sand.u32 $0x7F, s11  }
0x73: {  	p2 =	seq.s32 s3, $0x0;
	s11 =	smul.u32 $0x3, s11  }
0x74: {  	p3 =	slt.u32 @!p2 s10, $0x51  }
0x75: {  	_ =	swait.ge [sflag:s0], $0x3C00;
	p3 =	por p2, p3;
	s11 =	ssub.s32 s10, s11  }
.Ltmp4:
0x76: {  	[sflag:s0] =	ssyncset.done $0x0;
	s11 =	sand.u32 $0xFF, s11;
	(pc) =	sbr.rel @p3 .LBB2_4-.Ltmp4, $4  }
0x77: {  	s12 =	simm.s32 @!p2 $0x3;
	[sflag:s0] =	ssyncadd.s32 $0xFFFFC400;
	s11 =	smul.u32 $0xF000, s11  }
0x78: {  	_ =	swait.ge @!p2 [sflag:s12], $0x3C00  }
0x79: {  	[sflag:s12] =	ssyncset.done @!p2 $0x0;
	s11 =	sshrl.u32 s11, $0x2  }
0x7a: {  	[sflag:s12] =	ssyncadd.s32 @!p2 $0xFFFFC400;
	s11 =	sadd.s32 $0x13CC0, s11  }
.Ltmp5:
0x7b: {  	(pc) =	sbr.rel .LBB2_5-.Ltmp5, $4  }
0x7c: {  	_ = 	snop  }
0x7d: {  	s12 =	sand.u32 $0x180, s3  }
0x7e: {  	s12 =	sadd.s32 $0x13AC0, s12  }
0x7f: {  	[spmem:s4] =	stream.indirect.scatter.add.f32 [tilespmem:s11], [sflag:$0x3], $0x80, s12, s22, $0xb8;
	[tilespmem:$0x1F1C0] =	vst v63  }
.LBB2_7:
0x80: {  	_ =	sfence.sel $0x180000  }
0x81: {  	[bflag:$0x0] =	sbarrier.arrive $0xFFFF  }
0x82: {  	_ =	strace $0x90000047  }
0x83: {  	[bflag:$0x2] =	sbarrier.arrive $0xFFFF  }
0x84: {  	p0 =	sne.s32 s12, $0x0;
	s0 =	rddreg [dreg:$0x4]  }
0x85: {  	s0 =	sadd.s32 @!p0 $0x100000, s0  }
0x86: {  	[sflag:s0] =	ssyncadd.tile.s32 @!p0 $0x1;
	_ =	shalt  }
.Lfunc_end2:
_tile_overlayer_lowered:
.L_overlay_start_2:
0x87: {  	(tag) =	ssettag $0x2  }
0x88: {  	s0 =	rddreg [dreg:$0x0];
	s2 =	stileid.u32  }
0x89: {  	s1 =	rddreg [dreg:$0x1];
	p0 =	sne.s32 s2, $0x0  }
0x8a: {  	s3 =	rddreg [dreg:$0x2];
	[bflag:$0x3] =	sbarrier.arrive $0xFFFF;
	s2 =	simm.s32 @!p0 $0x1C04  }
0x8b: {  	[timem:s3], [sflag:s2] =	dma.local @!p0 [hbm:s0], s1  }
0x8c: {  	s0 =	simm.s32 @!p0 $0x4  }
0x8d: {  	_ =	swait.ge @!p0 [sflag:s0], s1  }
0x8e: {  	s1 =	ssub.s32 @!p0 $0x0, s1;
	[sflag:s0] =	ssyncset.done @!p0 $0x0  }
0x8f: {  	[sflag:s0] =	ssyncadd.s32 @!p0 s1  }
0x90: {  	[bflag:$0x3] =	sbarrier.arrive $0xFFFF  }
0x91: {  	_ =	shalt  }

</sc_bundles>
